<compile_context>
chip_gen: v7x
topology: tpu7x:2x2x1
jax: 0.10.2.dev20260603
libtpu: 0.0.44.dev20260713+nightly
codegen_flags: <defaults>
</compile_context>

<pallas_src>
import functools
import jax
import jax.numpy as jnp
from jax import lax
from jax.experimental import pallas as pl
from jax.experimental.pallas import tpu as pltpu
from jax.experimental.pallas import tpu_sc as plsc

N = 10000
D = 128
E = 320000
CHUNK = 128
NC = 2
NS = 16
NW = NC * NS
C_PER_W = 80
E_PAD = NW * C_PER_W * CHUNK
PAD_N = 10240
ROWS_PER_TILE = PAD_N // NS
E_W = E // NW
PAD_W = C_PER_W * CHUNK - E_W
NDUM = PAD_N - N
N_COPIES = 8

_mesh = plsc.VectorSubcoreMesh(core_axis_name="c", subcore_axis_name="s")

K = 2
SG = 16
N_SG = C_PER_W // SG
G_PER_SG = SG // K


@functools.partial(
    pl.kernel,
    mesh=_mesh,
    out_type=jax.ShapeDtypeStruct((NC, PAD_N, D), jnp.float32),
    scratch_types=[
        pltpu.VMEM((SG, CHUNK), jnp.int32),
        pltpu.VMEM((SG, CHUNK), jnp.int32),
        [pltpu.VMEM((CHUNK, D), jnp.float32) for _ in range(K)],
        pltpu.VMEM_SHARED((PAD_N, D), jnp.float32),
        pltpu.SemaphoreType.DMA,
        pltpu.SemaphoreType.DMA,
    ],
)
def _sc_segment_sum(h_hbm, src_hbm, dst_hbm, zeros_hbm, out_hbm,
                    sidx_v, didx_v, rows_v, acc_sh, gsem, ssem):
    c = lax.axis_index("c")
    s = lax.axis_index("s")
    wid = s * NC + c
    pltpu.sync_copy(zeros_hbm, acc_sh.at[pl.ds(s * ROWS_PER_TILE, ROWS_PER_TILE)])
    plsc.subcore_barrier()

    def outer(sg, carry):
        pltpu.sync_copy(src_hbm.at[wid, pl.ds(sg * SG, SG)], sidx_v)
        pltpu.sync_copy(dst_hbm.at[wid, pl.ds(sg * SG, SG)], didx_v)

        def body(g, carry2):
            gh = [pltpu.async_copy(h_hbm.at[sidx_v.at[g * K + t]],
                                   rows_v[t], gsem)
                  for t in range(K)]
            sh = []
            for t in range(K):
                gh[t].wait()
                sh.append(pltpu.async_copy(
                    rows_v[t], acc_sh.at[didx_v.at[g * K + t]], ssem,
                    add=True))
            for t in range(K):
                sh[t].wait()
            return carry2

        lax.fori_loop(0, G_PER_SG, body, 0)
        return carry

    lax.fori_loop(0, N_SG, outer, 0)
    plsc.subcore_barrier()
    pltpu.sync_copy(acc_sh.at[pl.ds(s * ROWS_PER_TILE, ROWS_PER_TILE)],
                    out_hbm.at[c, pl.ds(s * ROWS_PER_TILE, ROWS_PER_TILE)])


def _tc_body(h_ref, a0_ref, a1_ref, wm_ref, w1_ref, w2_ref, b_ref, o_ref):
    dn = (((1,), (1,)), ((), ()))
    acc = a0_ref[...] + a1_ref[...]
    agg = lax.dot_general(acc, wm_ref[...], dn, preferred_element_type=jnp.float32)
    z = lax.dot_general(h_ref[...], w1_ref[...], dn, preferred_element_type=jnp.float32)
    z = z + lax.dot_general(agg, w2_ref[...], dn, preferred_element_type=jnp.float32)
    o_ref[...] = jnp.maximum(z + b_ref[...], 0.0)


def _tc_update(h, acc0, acc1, W_msg, W1, W2, b2d):
    BLK = 1000
    grid = (N // BLK,)
    row_spec = pl.BlockSpec((BLK, D), lambda i: (i, 0))
    w_spec = pl.BlockSpec((D, D), lambda i: (0, 0))
    return pl.pallas_call(
        _tc_body,
        grid=grid,
        in_specs=[row_spec, row_spec, row_spec, w_spec, w_spec, w_spec,
                  pl.BlockSpec((1, D), lambda i: (0, 0))],
        out_specs=row_spec,
        out_shape=jax.ShapeDtypeStruct((N, D), jnp.float32),
    )(h, acc0, acc1, W_msg, W1, W2, b2d)


def kernel(h, edge_index, W_msg, W_upd, b_upd):
    src = edge_index[0].astype(jnp.int32)
    dst = edge_index[1].astype(jnp.int32)
    core_off = (jnp.arange(NW, dtype=jnp.int32)[:, None] % N_COPIES) * N
    src_p = (jnp.pad(src.reshape(NW, E_W), ((0, 0), (0, PAD_W)))
             + core_off).reshape(NW, C_PER_W, CHUNK)
    w_ids = jax.lax.broadcasted_iota(jnp.int32, (NW, PAD_W), 0)
    p_ids = jax.lax.broadcasted_iota(jnp.int32, (NW, PAD_W), 1)
    pad_dst = N + (w_ids + p_ids) % NDUM
    dst_p = jnp.concatenate([dst.reshape(NW, E_W), pad_dst], axis=1).reshape(
        NW, C_PER_W, CHUNK)
    zeros = jnp.zeros((ROWS_PER_TILE, D), jnp.float32)
    h2 = jnp.concatenate([h] * N_COPIES, axis=0)
    partial = _sc_segment_sum(h2, src_p, dst_p, zeros)
    acc0 = partial[0, :N]
    acc1 = partial[1, :N]
    W1 = W_upd[:, :D]
    W2 = W_upd[:, D:]
    return _tc_update(h, acc0, acc1, W_msg, W1, W2, b_upd.reshape(1, D))

# --- scband reference (transcript-rebuilt; emitter-appended) ---
"""Pipeline reference for scband-message-passing-layer-2534030704715 (READ-ONLY COPY).

The authoritative reference and input builder live on the scoring server;
editing this copy changes nothing except your own understanding.
"""

import jax, jax.numpy as jnp
import numpy as np

N_NODES = 10000
N_EDGES = 320000
IN_DIM = 128
OUT_DIM = 128


def setup_inputs(seed: int = 0) -> dict:
    key = jax.random.key(seed)
    k1, k2, k3, k4, k5 = jax.random.split(key, 5)
    h = jax.random.normal(k1, (N_NODES, IN_DIM), dtype=jnp.float32)
    edge_index = jax.random.randint(k2, (2, N_EDGES), 0, N_NODES, dtype=jnp.int64)
    # Learned parameters (PyTorch nn.Linear stores weight as [out, in]; y = x @ W.T + b)
    bound_msg = 1.0 / np.sqrt(IN_DIM)
    W_msg = jax.random.uniform(k3, (OUT_DIM, IN_DIM), dtype=jnp.float32, minval=-bound_msg, maxval=bound_msg)
    bound_upd = 1.0 / np.sqrt(IN_DIM + OUT_DIM)
    W_upd = jax.random.uniform(k4, (OUT_DIM, IN_DIM + OUT_DIM), dtype=jnp.float32, minval=-bound_upd, maxval=bound_upd)
    b_upd = jax.random.uniform(k5, (OUT_DIM,), dtype=jnp.float32, minval=-bound_upd, maxval=bound_upd)
    return {"h": h, "edge_index": edge_index, "W_msg": W_msg, "W_upd": W_upd, "b_upd": b_upd}


def reference(h, edge_index, W_msg, W_upd, b_upd):
    num_nodes = h.shape[0]
    src = edge_index[0]
    dst = edge_index[1]
    # messages = W_msg(h[src])  (Linear, no bias)
    gathered = jnp.take(h, src, axis=0)           # gather -> SparseCore friendly
    messages = gathered @ W_msg.T
    # agg = zeros.index_add_(0, dst, messages)    (scatter-add)
    agg = jnp.zeros((num_nodes, messages.shape[1]), dtype=h.dtype).at[dst].add(messages)
    # relu(W_upd(cat([h, agg], dim=1)))
    cat = jnp.concatenate([h, agg], axis=1)
    out = jax.nn.relu(cat @ W_upd.T + b_upd)
    return out

if __name__ == "__main__":
    import jax
    _d = setup_inputs()
    print(jax.jit(kernel)(*tuple(_d.values())))

</pallas_src>

<mosaic_0001>
#map = affine_map<(d0, d1) -> (0, 0)>
#map1 = affine_map<(d0, d1) -> (0, 0, 0)>
module attributes {stable_mosaic.version = 14 : i64} {
  func.func @_sc_segment_sum(%arg0: i32, %arg1: i32, %arg2: memref<80000x128xf32, #tpu.memory_space<hbm>>, %arg3: memref<32x80x128xi32, #tpu.memory_space<hbm>>, %arg4: memref<32x80x128xi32, #tpu.memory_space<hbm>>, %arg5: memref<640x128xf32, #tpu.memory_space<hbm>>, %arg6: memref<2x10240x128xf32, #tpu.memory_space<hbm>>, %arg7: memref<16x128xi32, #tpu.memory_space<vmem>>, %arg8: memref<16x128xi32, #tpu.memory_space<vmem>>, %arg9: memref<128x128xf32, #tpu.memory_space<vmem>>, %arg10: memref<128x128xf32, #tpu.memory_space<vmem>>, %arg11: memref<10240x128xf32, #tpu.memory_space<vmem_shared>>, %arg12: memref<!tpu.dma_semaphore, #tpu.memory_space<semaphore_mem>>, %arg13: memref<!tpu.dma_semaphore, #tpu.memory_space<semaphore_mem>>) attributes {dimension_semantics = [#tpu.dimension_semantics<core_parallel>, #tpu.dimension_semantics<subcore_parallel>], iteration_bounds = array<i64: 2, 16>, scalar_prefetch = 0 : i64, scratch_operands = 7 : i64, tpu.core_type = #tpu.core_type<sc_vector_subcore>, window_params = [{transform_indices = #map}, {transform_indices = #map1}, {transform_indices = #map1}, {transform_indices = #map}, {transform_indices = #map1}]} {
    %mul3A = arith.constant 2 : i32
    %mul3A_0 = arith.muli %arg1, %mul3A : i32
    %add3A = arith.addi %mul3A_0, %arg0 : i32
    %mul3A_1 = arith.constant 640 : i32
    %mul3A_2 = arith.muli %arg1, %mul3A_1 : i32
    "tpu.region"() ({
      %run_scoped3A = tpu.sem_alloc : memref<!tpu.dma_semaphore, #tpu.memory_space<semaphore_mem>>
      %dma_start3A = arith.constant 0 : i32
      %dma_start3A_13 = tpu.memref_slice %arg11[%mul3A_2, %dma_start3A] : memref<10240x128xf32, #tpu.memory_space<vmem_shared>> -> memref<640x128xf32, #tpu.memory_space<vmem_shared>>
      tpu.enqueue_dma source(%arg5 : memref<640x128xf32, #tpu.memory_space<hbm>>) target(%dma_start3A_13 : memref<640x128xf32, #tpu.memory_space<vmem_shared>>) target_semaphore(%run_scoped3A : memref<!tpu.dma_semaphore, #tpu.memory_space<semaphore_mem>>)
      %dma_wait3A = arith.constant 0 : i32
      %dma_wait3A_14 = tpu.memref_slice %arg11[%mul3A_2, %dma_wait3A] : memref<10240x128xf32, #tpu.memory_space<vmem_shared>> -> memref<640x128xf32, #tpu.memory_space<vmem_shared>>
      tpu.wait_dma2 semaphore(%run_scoped3A : memref<!tpu.dma_semaphore, #tpu.memory_space<semaphore_mem>>) src(%arg5 : memref<640x128xf32, #tpu.memory_space<hbm>>) dst(%dma_wait3A_14 : memref<640x128xf32, #tpu.memory_space<vmem_shared>>)
      tpu.yield
    }) : () -> ()
    %barrier3A = arith.constant 0 : index
    tpu.barrier barrier_id(%barrier3A)
    %scan3A = arith.constant 0 : i32
    %scan3A_3 = arith.constant 0 : i32
    %scan3A_4 = arith.constant 5 : i32
    %scan3A_5 = arith.addi %scan3A_3, %scan3A_4 : i32
    %scan3A_6 = arith.constant 1 : i32
    scf.for %scan3A_13 = %scan3A_3 to %scan3A_5 step %scan3A_6  : i32 {
      %mul3A_14 = arith.constant 16 : i32
      %mul3A_15 = arith.muli %scan3A_13, %mul3A_14 : i32
      "tpu.region"() ({
        %run_scoped3A = tpu.sem_alloc : memref<!tpu.dma_semaphore, #tpu.memory_space<semaphore_mem>>
        %dma_start3A = arith.constant 0 : i32
        %dma_start3A_24 = tpu.memref_slice %arg3[%add3A, %mul3A_15, %dma_start3A] : memref<32x80x128xi32, #tpu.memory_space<hbm>> -> memref<1x16x128xi32, #tpu.memory_space<hbm>>
        %dma_start3A_25 = tpu.memref_squeeze %dma_start3A_24 : memref<1x16x128xi32, #tpu.memory_space<hbm>> -> memref<16x128xi32, #tpu.memory_space<hbm>>
        %dma_start3A_26 = arith.constant 0 : i32
        %dma_start3A_27 = tpu.memref_slice %arg3[%add3A, %mul3A_15, %dma_start3A_26] : memref<32x80x128xi32, #tpu.memory_space<hbm>> -> memref<1x16x128xi32, #tpu.memory_space<hbm>>
        %dma_start3A_28 = tpu.memref_squeeze %dma_start3A_27 : memref<1x16x128xi32, #tpu.memory_space<hbm>> -> memref<16x128xi32, #tpu.memory_space<hbm>>
        tpu.enqueue_dma source(%dma_start3A_28 : memref<16x128xi32, #tpu.memory_space<hbm>>) target(%arg7 : memref<16x128xi32, #tpu.memory_space<vmem>>) target_semaphore(%run_scoped3A : memref<!tpu.dma_semaphore, #tpu.memory_space<semaphore_mem>>)
        %dma_wait3A = arith.constant 0 : i32
        %dma_wait3A_29 = tpu.memref_slice %arg3[%add3A, %mul3A_15, %dma_wait3A] : memref<32x80x128xi32, #tpu.memory_space<hbm>> -> memref<1x16x128xi32, #tpu.memory_space<hbm>>
        %dma_wait3A_30 = tpu.memref_squeeze %dma_wait3A_29 : memref<1x16x128xi32, #tpu.memory_space<hbm>> -> memref<16x128xi32, #tpu.memory_space<hbm>>
        %dma_wait3A_31 = arith.constant 0 : i32
        %dma_wait3A_32 = tpu.memref_slice %arg3[%add3A, %mul3A_15, %dma_wait3A_31] : memref<32x80x128xi32, #tpu.memory_space<hbm>> -> memref<1x16x128xi32, #tpu.memory_space<hbm>>
        %dma_wait3A_33 = tpu.memref_squeeze %dma_wait3A_32 : memref<1x16x128xi32, #tpu.memory_space<hbm>> -> memref<16x128xi32, #tpu.memory_space<hbm>>
        tpu.wait_dma2 semaphore(%run_scoped3A : memref<!tpu.dma_semaphore, #tpu.memory_space<semaphore_mem>>) src(%dma_wait3A_33 : memref<16x128xi32, #tpu.memory_space<hbm>>) dst(%arg7 : memref<16x128xi32, #tpu.memory_space<vmem>>)
        tpu.yield
      }) : () -> ()
      %mul3A_16 = arith.constant 16 : i32
      %mul3A_17 = arith.muli %scan3A_13, %mul3A_16 : i32
      "tpu.region"() ({
        %run_scoped3A = tpu.sem_alloc : memref<!tpu.dma_semaphore, #tpu.memory_space<semaphore_mem>>
        %dma_start3A = arith.constant 0 : i32
        %dma_start3A_24 = tpu.memref_slice %arg4[%add3A, %mul3A_17, %dma_start3A] : memref<32x80x128xi32, #tpu.memory_space<hbm>> -> memref<1x16x128xi32, #tpu.memory_space<hbm>>
        %dma_start3A_25 = tpu.memref_squeeze %dma_start3A_24 : memref<1x16x128xi32, #tpu.memory_space<hbm>> -> memref<16x128xi32, #tpu.memory_space<hbm>>
        %dma_start3A_26 = arith.constant 0 : i32
        %dma_start3A_27 = tpu.memref_slice %arg4[%add3A, %mul3A_17, %dma_start3A_26] : memref<32x80x128xi32, #tpu.memory_space<hbm>> -> memref<1x16x128xi32, #tpu.memory_space<hbm>>
        %dma_start3A_28 = tpu.memref_squeeze %dma_start3A_27 : memref<1x16x128xi32, #tpu.memory_space<hbm>> -> memref<16x128xi32, #tpu.memory_space<hbm>>
        tpu.enqueue_dma source(%dma_start3A_28 : memref<16x128xi32, #tpu.memory_space<hbm>>) target(%arg8 : memref<16x128xi32, #tpu.memory_space<vmem>>) target_semaphore(%run_scoped3A : memref<!tpu.dma_semaphore, #tpu.memory_space<semaphore_mem>>)
        %dma_wait3A = arith.constant 0 : i32
        %dma_wait3A_29 = tpu.memref_slice %arg4[%add3A, %mul3A_17, %dma_wait3A] : memref<32x80x128xi32, #tpu.memory_space<hbm>> -> memref<1x16x128xi32, #tpu.memory_space<hbm>>
        %dma_wait3A_30 = tpu.memref_squeeze %dma_wait3A_29 : memref<1x16x128xi32, #tpu.memory_space<hbm>> -> memref<16x128xi32, #tpu.memory_space<hbm>>
        %dma_wait3A_31 = arith.constant 0 : i32
        %dma_wait3A_32 = tpu.memref_slice %arg4[%add3A, %mul3A_17, %dma_wait3A_31] : memref<32x80x128xi32, #tpu.memory_space<hbm>> -> memref<1x16x128xi32, #tpu.memory_space<hbm>>
        %dma_wait3A_33 = tpu.memref_squeeze %dma_wait3A_32 : memref<1x16x128xi32, #tpu.memory_space<hbm>> -> memref<16x128xi32, #tpu.memory_space<hbm>>
        tpu.wait_dma2 semaphore(%run_scoped3A : memref<!tpu.dma_semaphore, #tpu.memory_space<semaphore_mem>>) src(%dma_wait3A_33 : memref<16x128xi32, #tpu.memory_space<hbm>>) dst(%arg8 : memref<16x128xi32, #tpu.memory_space<vmem>>)
        tpu.yield
      }) : () -> ()
      %scan3A_18 = arith.constant 0 : i32
      %scan3A_19 = arith.constant 0 : i32
      %scan3A_20 = arith.constant 8 : i32
      %scan3A_21 = arith.addi %scan3A_19, %scan3A_20 : i32
      %scan3A_22 = arith.constant 1 : i32
      scf.for %scan3A_24 = %scan3A_19 to %scan3A_21 step %scan3A_22  : i32 {
        %mul3A_25 = arith.constant 2 : i32
        %mul3A_26 = arith.muli %scan3A_24, %mul3A_25 : i32
        %add3A_27 = arith.constant 0 : i32
        %add3A_28 = arith.addi %mul3A_26, %add3A_27 : i32
        %dma_start3A = arith.constant 0 : i32
        %dma_start3A_29 = tpu.memref_slice %arg7[%add3A_28, %dma_start3A] : memref<16x128xi32, #tpu.memory_space<vmem>> -> memref<1x128xi32, #tpu.memory_space<vmem>>
        %dma_start3A_30 = tpu.memref_squeeze %dma_start3A_29 : memref<1x128xi32, #tpu.memory_space<vmem>> -> memref<128xi32, #tpu.memory_space<vmem>>
        %dma_start3A_31 = arith.constant 0 : i32
        %dma_start3A_32 = arith.constant 0 : i32
        %dma_start3A_33 = tpu.memref_slice %arg2[%dma_start3A_31, %dma_start3A_32] : memref<80000x128xf32, #tpu.memory_space<hbm>> -> memref<80000x128xf32, #tpu.memory_space<hbm>>
        tpu.enqueue_indirect_dma source(%dma_start3A_33 : memref<80000x128xf32, #tpu.memory_space<hbm>>) target(%arg9 : memref<128x128xf32, #tpu.memory_space<vmem>>) offsets(%dma_start3A_30 : memref<128xi32, #tpu.memory_space<vmem>>) semaphore(%arg12 : memref<!tpu.dma_semaphore, #tpu.memory_space<semaphore_mem>>)
        %mul3A_34 = arith.constant 2 : i32
        %mul3A_35 = arith.muli %scan3A_24, %mul3A_34 : i32
        %add3A_36 = arith.constant 1 : i32
        %add3A_37 = arith.addi %mul3A_35, %add3A_36 : i32
        %dma_start3A_38 = arith.constant 0 : i32
        %dma_start3A_39 = tpu.memref_slice %arg7[%add3A_37, %dma_start3A_38] : memref<16x128xi32, #tpu.memory_space<vmem>> -> memref<1x128xi32, #tpu.memory_space<vmem>>
        %dma_start3A_40 = tpu.memref_squeeze %dma_start3A_39 : memref<1x128xi32, #tpu.memory_space<vmem>> -> memref<128xi32, #tpu.memory_space<vmem>>
        %dma_start3A_41 = arith.constant 0 : i32
        %dma_start3A_42 = arith.constant 0 : i32
        %dma_start3A_43 = tpu.memref_slice %arg2[%dma_start3A_41, %dma_start3A_42] : memref<80000x128xf32, #tpu.memory_space<hbm>> -> memref<80000x128xf32, #tpu.memory_space<hbm>>
        tpu.enqueue_indirect_dma source(%dma_start3A_43 : memref<80000x128xf32, #tpu.memory_space<hbm>>) target(%arg10 : memref<128x128xf32, #tpu.memory_space<vmem>>) offsets(%dma_start3A_40 : memref<128xi32, #tpu.memory_space<vmem>>) semaphore(%arg12 : memref<!tpu.dma_semaphore, #tpu.memory_space<semaphore_mem>>)
        %dma_wait3A = arith.constant 0 : i32
        %dma_wait3A_44 = tpu.memref_slice %arg7[%add3A_28, %dma_wait3A] : memref<16x128xi32, #tpu.memory_space<vmem>> -> memref<1x128xi32, #tpu.memory_space<vmem>>
        %dma_wait3A_45 = tpu.memref_squeeze %dma_wait3A_44 : memref<1x128xi32, #tpu.memory_space<vmem>> -> memref<128xi32, #tpu.memory_space<vmem>>
        %dma_wait3A_46 = arith.constant 0 : i32
        %dma_wait3A_47 = arith.constant 0 : i32
        %dma_wait3A_48 = tpu.memref_slice %arg2[%dma_wait3A_46, %dma_wait3A_47] : memref<80000x128xf32, #tpu.memory_space<hbm>> -> memref<80000x128xf32, #tpu.memory_space<hbm>>
        tpu.wait_indirect_dma semaphore(%arg12 : memref<!tpu.dma_semaphore, #tpu.memory_space<semaphore_mem>>) src(%dma_wait3A_48 : memref<80000x128xf32, #tpu.memory_space<hbm>>) dst(%arg9 : memref<128x128xf32, #tpu.memory_space<vmem>>)
        %mul3A_49 = arith.constant 2 : i32
        %mul3A_50 = arith.muli %scan3A_24, %mul3A_49 : i32
        %add3A_51 = arith.constant 0 : i32
        %add3A_52 = arith.addi %mul3A_50, %add3A_51 : i32
        %dma_start3A_53 = arith.constant 0 : i32
        %dma_start3A_54 = tpu.memref_slice %arg8[%add3A_52, %dma_start3A_53] : memref<16x128xi32, #tpu.memory_space<vmem>> -> memref<1x128xi32, #tpu.memory_space<vmem>>
        %dma_start3A_55 = tpu.memref_squeeze %dma_start3A_54 : memref<1x128xi32, #tpu.memory_space<vmem>> -> memref<128xi32, #tpu.memory_space<vmem>>
        %dma_start3A_56 = arith.constant 0 : i32
        %dma_start3A_57 = arith.constant 0 : i32
        %dma_start3A_58 = tpu.memref_slice %arg11[%dma_start3A_56, %dma_start3A_57] : memref<10240x128xf32, #tpu.memory_space<vmem_shared>> -> memref<10240x128xf32, #tpu.memory_space<vmem_shared>>
        tpu.enqueue_indirect_dma source(%arg9 : memref<128x128xf32, #tpu.memory_space<vmem>>) target(%dma_start3A_58 : memref<10240x128xf32, #tpu.memory_space<vmem_shared>>) offsets(%dma_start3A_55 : memref<128xi32, #tpu.memory_space<vmem>>) semaphore(%arg13 : memref<!tpu.dma_semaphore, #tpu.memory_space<semaphore_mem>>) {add = true}
        %dma_wait3A_59 = arith.constant 0 : i32
        %dma_wait3A_60 = tpu.memref_slice %arg7[%add3A_37, %dma_wait3A_59] : memref<16x128xi32, #tpu.memory_space<vmem>> -> memref<1x128xi32, #tpu.memory_space<vmem>>
        %dma_wait3A_61 = tpu.memref_squeeze %dma_wait3A_60 : memref<1x128xi32, #tpu.memory_space<vmem>> -> memref<128xi32, #tpu.memory_space<vmem>>
        %dma_wait3A_62 = arith.constant 0 : i32
        %dma_wait3A_63 = arith.constant 0 : i32
        %dma_wait3A_64 = tpu.memref_slice %arg2[%dma_wait3A_62, %dma_wait3A_63] : memref<80000x128xf32, #tpu.memory_space<hbm>> -> memref<80000x128xf32, #tpu.memory_space<hbm>>
        tpu.wait_indirect_dma semaphore(%arg12 : memref<!tpu.dma_semaphore, #tpu.memory_space<semaphore_mem>>) src(%dma_wait3A_64 : memref<80000x128xf32, #tpu.memory_space<hbm>>) dst(%arg10 : memref<128x128xf32, #tpu.memory_space<vmem>>)
        %mul3A_65 = arith.constant 2 : i32
        %mul3A_66 = arith.muli %scan3A_24, %mul3A_65 : i32
        %add3A_67 = arith.constant 1 : i32
        %add3A_68 = arith.addi %mul3A_66, %add3A_67 : i32
        %dma_start3A_69 = arith.constant 0 : i32
        %dma_start3A_70 = tpu.memref_slice %arg8[%add3A_68, %dma_start3A_69] : memref<16x128xi32, #tpu.memory_space<vmem>> -> memref<1x128xi32, #tpu.memory_space<vmem>>
        %dma_start3A_71 = tpu.memref_squeeze %dma_start3A_70 : memref<1x128xi32, #tpu.memory_space<vmem>> -> memref<128xi32, #tpu.memory_space<vmem>>
        %dma_start3A_72 = arith.constant 0 : i32
        %dma_start3A_73 = arith.constant 0 : i32
        %dma_start3A_74 = tpu.memref_slice %arg11[%dma_start3A_72, %dma_start3A_73] : memref<10240x128xf32, #tpu.memory_space<vmem_shared>> -> memref<10240x128xf32, #tpu.memory_space<vmem_shared>>
        tpu.enqueue_indirect_dma source(%arg10 : memref<128x128xf32, #tpu.memory_space<vmem>>) target(%dma_start3A_74 : memref<10240x128xf32, #tpu.memory_space<vmem_shared>>) offsets(%dma_start3A_71 : memref<128xi32, #tpu.memory_space<vmem>>) semaphore(%arg13 : memref<!tpu.dma_semaphore, #tpu.memory_space<semaphore_mem>>) {add = true}
        %dma_wait3A_75 = arith.constant 0 : i32
        %dma_wait3A_76 = tpu.memref_slice %arg8[%add3A_52, %dma_wait3A_75] : memref<16x128xi32, #tpu.memory_space<vmem>> -> memref<1x128xi32, #tpu.memory_space<vmem>>
        %dma_wait3A_77 = tpu.memref_squeeze %dma_wait3A_76 : memref<1x128xi32, #tpu.memory_space<vmem>> -> memref<128xi32, #tpu.memory_space<vmem>>
        %dma_wait3A_78 = arith.constant 0 : i32
        %dma_wait3A_79 = arith.constant 0 : i32
        %dma_wait3A_80 = tpu.memref_slice %arg11[%dma_wait3A_78, %dma_wait3A_79] : memref<10240x128xf32, #tpu.memory_space<vmem_shared>> -> memref<10240x128xf32, #tpu.memory_space<vmem_shared>>
        tpu.wait_indirect_dma semaphore(%arg13 : memref<!tpu.dma_semaphore, #tpu.memory_space<semaphore_mem>>) src(%arg9 : memref<128x128xf32, #tpu.memory_space<vmem>>) dst(%dma_wait3A_80 : memref<10240x128xf32, #tpu.memory_space<vmem_shared>>)
        %dma_wait3A_81 = arith.constant 0 : i32
        %dma_wait3A_82 = tpu.memref_slice %arg8[%add3A_68, %dma_wait3A_81] : memref<16x128xi32, #tpu.memory_space<vmem>> -> memref<1x128xi32, #tpu.memory_space<vmem>>
        %dma_wait3A_83 = tpu.memref_squeeze %dma_wait3A_82 : memref<1x128xi32, #tpu.memory_space<vmem>> -> memref<128xi32, #tpu.memory_space<vmem>>
        %dma_wait3A_84 = arith.constant 0 : i32
        %dma_wait3A_85 = arith.constant 0 : i32
        %dma_wait3A_86 = tpu.memref_slice %arg11[%dma_wait3A_84, %dma_wait3A_85] : memref<10240x128xf32, #tpu.memory_space<vmem_shared>> -> memref<10240x128xf32, #tpu.memory_space<vmem_shared>>
        tpu.wait_indirect_dma semaphore(%arg13 : memref<!tpu.dma_semaphore, #tpu.memory_space<semaphore_mem>>) src(%arg10 : memref<128x128xf32, #tpu.memory_space<vmem>>) dst(%dma_wait3A_86 : memref<10240x128xf32, #tpu.memory_space<vmem_shared>>)
      }
      %scan3A_23 = arith.constant 8 : i32
    }
    %scan3A_7 = arith.constant 5 : i32
    %barrier3A_8 = arith.constant 0 : index
    tpu.barrier barrier_id(%barrier3A_8)
    %mul3A_9 = arith.constant 640 : i32
    %mul3A_10 = arith.muli %arg1, %mul3A_9 : i32
    %mul3A_11 = arith.constant 640 : i32
    %mul3A_12 = arith.muli %arg1, %mul3A_11 : i32
    "tpu.region"() ({
      %run_scoped3A = tpu.sem_alloc : memref<!tpu.dma_semaphore, #tpu.memory_space<semaphore_mem>>
      %dma_start3A = arith.constant 0 : i32
      %dma_start3A_13 = tpu.memref_slice %arg6[%arg0, %mul3A_12, %dma_start3A] : memref<2x10240x128xf32, #tpu.memory_space<hbm>> -> memref<1x640x128xf32, #tpu.memory_space<hbm>>
      %dma_start3A_14 = tpu.memref_squeeze %dma_start3A_13 : memref<1x640x128xf32, #tpu.memory_space<hbm>> -> memref<640x128xf32, #tpu.memory_space<hbm>>
      %dma_start3A_15 = arith.constant 0 : i32
      %dma_start3A_16 = tpu.memref_slice %arg11[%mul3A_10, %dma_start3A_15] : memref<10240x128xf32, #tpu.memory_space<vmem_shared>> -> memref<640x128xf32, #tpu.memory_space<vmem_shared>>
      tpu.enqueue_dma source(%dma_start3A_16 : memref<640x128xf32, #tpu.memory_space<vmem_shared>>) target(%dma_start3A_14 : memref<640x128xf32, #tpu.memory_space<hbm>>) target_semaphore(%run_scoped3A : memref<!tpu.dma_semaphore, #tpu.memory_space<semaphore_mem>>)
      %dma_wait3A = arith.constant 0 : i32
      %dma_wait3A_17 = tpu.memref_slice %arg6[%arg0, %mul3A_12, %dma_wait3A] : memref<2x10240x128xf32, #tpu.memory_space<hbm>> -> memref<1x640x128xf32, #tpu.memory_space<hbm>>
      %dma_wait3A_18 = tpu.memref_squeeze %dma_wait3A_17 : memref<1x640x128xf32, #tpu.memory_space<hbm>> -> memref<640x128xf32, #tpu.memory_space<hbm>>
      %dma_wait3A_19 = arith.constant 0 : i32
      %dma_wait3A_20 = tpu.memref_slice %arg11[%mul3A_10, %dma_wait3A_19] : memref<10240x128xf32, #tpu.memory_space<vmem_shared>> -> memref<640x128xf32, #tpu.memory_space<vmem_shared>>
      tpu.wait_dma2 semaphore(%run_scoped3A : memref<!tpu.dma_semaphore, #tpu.memory_space<semaphore_mem>>) src(%dma_wait3A_20 : memref<640x128xf32, #tpu.memory_space<vmem_shared>>) dst(%dma_wait3A_18 : memref<640x128xf32, #tpu.memory_space<hbm>>)
      tpu.yield
    }) : () -> ()
    return
  }
}

module attributes {stable_mosaic.version = 14 : i64} {
  func.func @_tc_body(%arg0: i32, %arg1: memref<1000x128xf32, #tpu.memory_space<vmem>>, %arg2: memref<1000x128xf32, #tpu.memory_space<vmem>>, %arg3: memref<1000x128xf32, #tpu.memory_space<vmem>>, %arg4: memref<128x128xf32, #tpu.memory_space<vmem>>, %arg5: memref<128x128xf32, #tpu.memory_space<vmem>>, %arg6: memref<128x128xf32, #tpu.memory_space<vmem>>, %arg7: memref<1x128xf32, #tpu.memory_space<vmem>>, %arg8: memref<1000x128xf32, #tpu.memory_space<vmem>>) attributes {dimension_semantics = [#tpu.dimension_semantics<arbitrary>], iteration_bounds = array<i64: 10>, scalar_prefetch = 0 : i64, scratch_operands = 0 : i64, tpu.core_type = #tpu.core_type<tc>, window_params = [{transform_indices = @transform_0, window_bounds = array<i64: 1000, 128>}, {transform_indices = @transform_1, window_bounds = array<i64: 1000, 128>}, {transform_indices = @transform_2, window_bounds = array<i64: 1000, 128>}, {pipeline_mode = #tpu.pipeline_mode<synchronous>, transform_indices = @transform_3, window_bounds = array<i64: 128, 128>}, {pipeline_mode = #tpu.pipeline_mode<synchronous>, transform_indices = @transform_4, window_bounds = array<i64: 128, 128>}, {pipeline_mode = #tpu.pipeline_mode<synchronous>, transform_indices = @transform_5, window_bounds = array<i64: 128, 128>}, {pipeline_mode = #tpu.pipeline_mode<synchronous>, transform_indices = @transform_6, window_bounds = array<i64: 1, 128>}, {transform_indices = @transform_7, window_bounds = array<i64: 1000, 128>}]} {
    %get3A = arith.constant 0 : index
    %get3A_0 = arith.constant 0 : index
    %get3A_1 = vector.load %arg2[%get3A, %get3A_0] : memref<1000x128xf32, #tpu.memory_space<vmem>>, vector<1000x128xf32>
    %get3A_2 = arith.constant 0 : index
    %get3A_3 = arith.constant 0 : index
    %get3A_4 = vector.load %arg3[%get3A_2, %get3A_3] : memref<1000x128xf32, #tpu.memory_space<vmem>>, vector<1000x128xf32>
    %add3A = arith.addf %get3A_1, %get3A_4 : vector<1000x128xf32>
    %get3A_5 = arith.constant 0 : index
    %get3A_6 = arith.constant 0 : index
    %get3A_7 = vector.load %arg4[%get3A_5, %get3A_6] : memref<128x128xf32, #tpu.memory_space<vmem>>, vector<128x128xf32>
    %dot_general3A = arith.constant dense<0.000000e+00> : vector<1000x128xf32>
    %dot_general3A_8 = tpu.matmul %add3A, %get3A_7, %dot_general3A {dimension_numbers = #tpu.dot_dimension_numbers<[1], [1], [0], [0], [0, 0, 1, 0], [], []>, transpose_lhs_hint = false} : vector<1000x128xf32>, vector<128x128xf32>, vector<1000x128xf32> -> vector<1000x128xf32>
    %get3A_9 = arith.constant 0 : index
    %get3A_10 = arith.constant 0 : index
    %get3A_11 = vector.load %arg1[%get3A_9, %get3A_10] : memref<1000x128xf32, #tpu.memory_space<vmem>>, vector<1000x128xf32>
    %get3A_12 = arith.constant 0 : index
    %get3A_13 = arith.constant 0 : index
    %get3A_14 = vector.load %arg5[%get3A_12, %get3A_13] : memref<128x128xf32, #tpu.memory_space<vmem>>, vector<128x128xf32>
    %dot_general3A_15 = arith.constant dense<0.000000e+00> : vector<1000x128xf32>
    %dot_general3A_16 = tpu.matmul %get3A_11, %get3A_14, %dot_general3A_15 {dimension_numbers = #tpu.dot_dimension_numbers<[1], [1], [0], [0], [0, 0, 1, 0], [], []>, transpose_lhs_hint = false} : vector<1000x128xf32>, vector<128x128xf32>, vector<1000x128xf32> -> vector<1000x128xf32>
    %get3A_17 = arith.constant 0 : index
    %get3A_18 = arith.constant 0 : index
    %get3A_19 = vector.load %arg6[%get3A_17, %get3A_18] : memref<128x128xf32, #tpu.memory_space<vmem>>, vector<128x128xf32>
    %dot_general3A_20 = arith.constant dense<0.000000e+00> : vector<1000x128xf32>
    %dot_general3A_21 = tpu.matmul %dot_general3A_8, %get3A_19, %dot_general3A_20 {dimension_numbers = #tpu.dot_dimension_numbers<[1], [1], [0], [0], [0, 0, 1, 0], [], []>, transpose_lhs_hint = false} : vector<1000x128xf32>, vector<128x128xf32>, vector<1000x128xf32> -> vector<1000x128xf32>
    %add3A_22 = arith.addf %dot_general3A_16, %dot_general3A_21 : vector<1000x128xf32>
    %get3A_23 = arith.constant 0 : index
    %get3A_24 = arith.constant 0 : index
    %get3A_25 = vector.load %arg7[%get3A_23, %get3A_24] : memref<1x128xf32, #tpu.memory_space<vmem>>, vector<1x128xf32>
    %add3A_26 = vector.broadcast %get3A_25 : vector<1x128xf32> to vector<1000x128xf32>
    %add3A_27 = arith.addf %add3A_22, %add3A_26 : vector<1000x128xf32>
    %max3A = arith.constant 0.000000e+00 : f32
    %max3A_28 = vector.broadcast %max3A : f32 to vector<1000x128xf32>
    %max3A_29 = arith.maximumf %add3A_27, %max3A_28 : vector<1000x128xf32>
    %swap3A = arith.constant 0 : index
    %swap3A_30 = arith.constant 0 : index
    %swap3A_31 = vector.load %arg8[%swap3A, %swap3A_30] : memref<1000x128xf32, #tpu.memory_space<vmem>>, vector<1000x128xf32>
    tpu.vector_store %arg8[%swap3A, %swap3A_30], %max3A_29 {strides = array<i32>} : memref<1000x128xf32, #tpu.memory_space<vmem>>, vector<1000x128xf32>,
    return
  }
  func.func @transform_0(%arg0: i32) -> (i32, i32) {
    %c0_i32 = arith.constant 0 : i32
    %c0_i32_0 = arith.constant 0 : i32
    return %arg0, %c0_i32 : i32, i32
  }
  func.func @transform_1(%arg0: i32) -> (i32, i32) {
    %c0_i32 = arith.constant 0 : i32
    %c0_i32_0 = arith.constant 0 : i32
    return %arg0, %c0_i32 : i32, i32
  }
  func.func @transform_2(%arg0: i32) -> (i32, i32) {
    %c0_i32 = arith.constant 0 : i32
    %c0_i32_0 = arith.constant 0 : i32
    return %arg0, %c0_i32 : i32, i32
  }
  func.func @transform_3(%arg0: i32) -> (i32, i32) {
    %c0_i32 = arith.constant 0 : i32
    %c0_i32_0 = arith.constant 0 : i32
    %c0_i32_1 = arith.constant 0 : i32
    return %c0_i32, %c0_i32_0 : i32, i32
  }
  func.func @transform_4(%arg0: i32) -> (i32, i32) {
    %c0_i32 = arith.constant 0 : i32
    %c0_i32_0 = arith.constant 0 : i32
    %c0_i32_1 = arith.constant 0 : i32
    return %c0_i32, %c0_i32_0 : i32, i32
  }
  func.func @transform_5(%arg0: i32) -> (i32, i32) {
    %c0_i32 = arith.constant 0 : i32
    %c0_i32_0 = arith.constant 0 : i32
    %c0_i32_1 = arith.constant 0 : i32
    return %c0_i32, %c0_i32_0 : i32, i32
  }
  func.func @transform_6(%arg0: i32) -> (i32, i32) {
    %c0_i32 = arith.constant 0 : i32
    %c0_i32_0 = arith.constant 0 : i32
    %c0_i32_1 = arith.constant 0 : i32
    return %c0_i32, %c0_i32_0 : i32, i32
  }
  func.func @transform_7(%arg0: i32) -> (i32, i32) {
    %c0_i32 = arith.constant 0 : i32
    %c0_i32_0 = arith.constant 0 : i32
    return %arg0, %c0_i32 : i32, i32
  }
}

</mosaic_0001>

<sc_bundles>
// kernel: kernel.4.cloned.1.call-start
scs
__scs_entry_jumppad:
0x0: {  	(pc) =	sbr.rel $0x88, $3  }
0x1: {  	(tag) =	ssettag $0x0;
	lr =	simm.s32 $0x1  }
0x2: {  	[smem:$0x3F9C] =	sst lr;
	_ =	strace $0xD0000000  }
0x3: {  	_ = 	snop  }
0x4: {  	_ = 	snop  }
0x5: {  	_ = 	snop  }
0x6: {  	_ = 	snop  }
0x7: {  	_ = 	snop  }
__scs_overlays_trampoline_lowered:
0x8: {  	[smem:$0x3FAB] =	sst s0  }
0x9: {  	[smem:$0x3FAC] =	sst s1  }
0xa: {  	[smem:$0x3FAD] =	sst s2  }
0xb: {  	[smem:$0x3FAE] =	sst s3  }
0xc: {  	[smem:$0x3FAF] =	sst s4  }
0xd: {  	[smem:$0x3FB0] =	sst s5  }
0xe: {  	[smem:$0x3FB1] =	sst s6  }
0xf: {  	[smem:$0x3FB2] =	sst s7  }
0x10: {  	[smem:$0x3FB3] =	sst s8  }
0x11: {  	[smem:$0x3FB4] =	sst s9;
	s0 =	simm.s32 @!p0 $0x0  }
0x12: {  	s1 =	sld [smem:$0x3F9A];
	s0 =	simm.s32 @p0 $0x1  }
0x13: {  	[smem:$0x3FB5] =	sst s0;
	s0 =	simm.s32 @!p1 $0x0  }
0x14: {  	s2 =	sld [smem:$0x3F99];
	s0 =	simm.s32 @p1 $0x1  }
0x15: {  	[smem:$0x3FB6] =	sst s0;
	s0 =	simm.s32 @!p2 $0x0  }
0x16: {  	s3 =	sld [smem:$0x3FDB];
	s0 =	simm.s32 @p2 $0x1  }
0x17: {  	s4 =	simm.s32 $0x1BF5;
	[smem:$0x3FB8] =	sst s0  }
0x18: {  	s0 =	sld [smem:$0x3F9B];
	_ =	swait.ge [sflag:s4], $0x0  }
0x19: {  	s7 =	sld [smem:$0x3F9C]  }
0x1a: {  	s8 =	sadd.s32 $0xFFFFE003, lr  }
0x1b: {  	s9 =	sadd.s32 $0xFFFFFEF7, lr;
	s5 =	simm.s32 $0xFFFFFFFF;
	p2 =	slt.u32 s8, $0xFFFFF086  }
0x1c: {  	p1 =	slt.u32 s9, $0xF7A;
	s5 =	simm.s32 @!p2 $0x0  }
0x1d: {  	s5 =	simm.s32 @p1 $0x1;
	p0 =	seq.s32 s7, s2  }
0x1e: {  	s7 =	smul.u32 @!p0 $0xF7A, s2;
	p2 =	seq.s32 @!p0 s5, $0x0  }
0x1f: {  	s9 =	smul.u32 $0xF7A, s1;
	s8 =	simm.s32 @!p0 $0x1BF5;
	p2 =	por !p2, p0  }
0x20: {  	[sflag:s8] =	ssyncset.s32 @!p0 $0xFFFFF086;
	s6 =	sadd.s32 @!p0 s3, s7;
	s7 =	simm.s32 @!p0 $0x108  }
0x21: {  	s3 =	sadd.s32 s3, s9;
	s6 =	sadd.s32 @!p0 $0x88, s6;
	s7 =	simm.s32 @p2 $0x1082  }
0x22: {  	[simem:s7], [sflag:s8] =	dma.local @!p0 [hbm:s6], $0xF7A  }
0x23: {  	s9 =	sor.u32 $0xD0000000, s2;
	s6 =	simm.s32 $0x108;
	_ =	swait.ge @!p0 [sflag:s8], $0x0  }
0x24: {  	s3 =	sadd.s32 $0x88, s3;
	s6 =	simm.s32 @!p1 $0x1082;
	[sflag:s4] =	ssyncset.s32 $0xFFFFF086  }
0x25: {  	[simem:s6], [sflag:s4] =	dma.local [hbm:s3], $0xF7A  }
0x26: {  	[smem:$0x3F9C] =	sst s1;
	(tag) =	ssettag s2;
	_ =	strace s9  }
0x27: {  	s1 =	sld [smem:$0x3FAC]  }
0x28: {  	s2 =	sld [smem:$0x3FAD]  }
0x29: {  	s4 =	sld [smem:$0x3FAF]  }
0x2a: {  	p0 =	seq.s32 s5, $0x0;
	s5 =	sld [smem:$0x3FB0]  }
0x2b: {  	s6 =	sld [smem:$0x3FB1]  }
0x2c: {  	s7 =	sld [smem:$0x3FB2]  }
0x2d: {  	s3 =	simm.s32 $0x108;
	s8 =	sld [smem:$0x3FB3]  }
0x2e: {  	s3 =	simm.s32 @!p0 $0x1082;
	s9 =	sld [smem:$0x3FB4]  }
0x2f: {  	lr =	sadd.s32 s0, s3;
	s0 =	sld [smem:$0x3FAB]  }
0x30: {  	s3 =	sld [smem:$0x3FAE]  }
0x31: {  	[smem:$0x3FB7] =	sst s10  }
0x32: {  	s10 =	sld [smem:$0x3FB5];
	_ =	sdelay $0x3  }
0x33: {  	p0 =	seq.s32 s10, $0x1;
	s10 =	sld [smem:$0x3FB7];
	_ =	sdelay $0x3  }
0x34: {  	[smem:$0x3FB7] =	sst s10  }
0x35: {  	s10 =	sld [smem:$0x3FB6];
	_ =	sdelay $0x3  }
0x36: {  	p1 =	seq.s32 s10, $0x1;
	s10 =	sld [smem:$0x3FB7];
	_ =	sdelay $0x3  }
0x37: {  	[smem:$0x3FB7] =	sst s10  }
0x38: {  	s10 =	sld [smem:$0x3FB8]  }
0x39: {  	_ = 	snop;
	(pc) =	sbr.ind lr, $3  }
0x3a: {  	_ = 	snop  }
0x3b: {  	_ = 	snop  }
0x3c: {  	p2 =	seq.s32 s10, $0x1;
	s10 =	sld [smem:$0x3FB7]  }
0x3d: {  	_ =	shalt  }
0x3e: {  	_ =	shalt  }
0x3f: {  	_ =	shalt  }
0x40: {  	_ =	shalt  }
0x41: {  	_ =	shalt  }
0x42: {  	_ =	shalt  }
0x43: {  	_ =	shalt  }
0x44: {  	_ =	shalt  }
0x45: {  	_ =	shalt  }
0x46: {  	_ =	shalt  }
0x47: {  	_ =	shalt  }
0x48: {  	_ =	shalt  }
0x49: {  	_ =	shalt  }
0x4a: {  	_ =	shalt  }
0x4b: {  	_ =	shalt  }
0x4c: {  	_ =	shalt  }
0x4d: {  	_ =	shalt  }
0x4e: {  	_ =	shalt  }
0x4f: {  	_ =	shalt  }
0x50: {  	_ =	shalt  }
0x51: {  	_ =	shalt  }
0x52: {  	_ =	shalt  }
0x53: {  	_ =	shalt  }
0x54: {  	_ =	shalt  }
0x55: {  	_ =	shalt  }
0x56: {  	_ =	shalt  }
0x57: {  	_ =	shalt  }
0x58: {  	_ =	shalt  }
0x59: {  	_ =	shalt  }
0x5a: {  	_ =	shalt  }
0x5b: {  	_ =	shalt  }
0x5c: {  	_ =	shalt  }
0x5d: {  	_ =	shalt  }
0x5e: {  	_ =	shalt  }
0x5f: {  	_ =	shalt  }
0x60: {  	_ =	shalt  }
0x61: {  	_ =	shalt  }
0x62: {  	_ =	shalt  }
0x63: {  	_ =	shalt  }
0x64: {  	_ =	shalt  }
0x65: {  	_ =	shalt  }
0x66: {  	_ =	shalt  }
0x67: {  	_ =	shalt  }
0x68: {  	_ =	shalt  }
0x69: {  	_ =	shalt  }
0x6a: {  	_ =	shalt  }
0x6b: {  	_ =	shalt  }
0x6c: {  	_ =	shalt  }
0x6d: {  	_ =	shalt  }
0x6e: {  	_ =	shalt  }
0x6f: {  	_ =	shalt  }
0x70: {  	_ =	shalt  }
0x71: {  	_ =	shalt  }
0x72: {  	_ =	shalt  }
0x73: {  	_ =	shalt  }
0x74: {  	_ =	shalt  }
0x75: {  	_ =	shalt  }
0x76: {  	_ =	shalt  }
0x77: {  	_ =	shalt  }
0x78: {  	_ =	shalt  }
0x79: {  	_ =	shalt  }
0x7a: {  	_ =	shalt  }
0x7b: {  	_ =	shalt  }
0x7c: {  	_ =	shalt  }
0x7d: {  	_ =	shalt  }
0x7e: {  	_ =	shalt  }
0x7f: {  	_ =	shalt  }
0x80: {  	_ =	shalt  }
0x81: {  	_ =	shalt  }
0x82: {  	_ =	shalt  }
0x83: {  	_ =	shalt  }
0x84: {  	_ =	shalt  }
0x85: {  	_ =	shalt  }
0x86: {  	_ =	shalt  }
0x87: {  	_ =	shalt  }
.Lfunc_end0:
.L_simem_size_0:
called_computation_lowered:
.L_overlay_start_0:
0x88: {  	s2 =	sld [smem:$0x3FD9]  }
0x89: {  	s3 =	sld [smem:$0x3FFE];
	_ =	sdelay $0x1  }
0x8a: {  	s1 =	srdreg.scid  }
0x8b: {  	s0 =	sand.u32 $0x1, s1  }
0x8c: {  	s17 =	sshll.u32 s0, $0xA;
	s2 =	sadd.s32 s3, s2  }
0x8d: {  	s2 =	sadd.s32 s2, s17  }
0x8e: {  	[smem:$0x3FC3] =	sst s2  }
0x8f: {  	_ = 	snop  }
0x90: {  	s2 =	sld [smem:$0x3FD0];
	(tm) =	ssettm $0x1  }
0x91: {  	s18 =	sld [smem:$0x3FFB];
	_ =	sdelay $0x3  }
0x92: {  	_ =	strace s18  }
0x93: {  	s3 =	sld [smem:$0x3FFC];
	_ =	sdelay $0x3  }
0x94: {  	_ =	strace s3  }
0x95: {  	s3 =	sld [smem:$0x3FFD];
	_ =	sdelay $0x3  }
0x96: {  	_ =	strace s3  }
0x97: {  	_ =	strace $0x8FFFFFFF  }
0x98: {  	s19 =	sld [smem:$0x3FDB];
	_ =	sdelay $0x1  }
0x99: {  	s4 =	simm.s32 $_scs_section_size  }
0x9a: {  	s5 =	simm.s32 $_size__tile_overlayer_lowered;
	s6 =	simm.s32 $_tile_overlayer_lowered  }
0x9b: {  	s22 =	simm.s32 $0x1BFF;
	s21 =	sshll.u32 s6, $0x1;
	s3 =	sadd.s32 s4, s19  }
0x9c: {  	s7 =	simm.s32 $0x0;
	s20 =	sshll.u32 s5, $0x1;
	s5 =	sadd.s32 s21, s3  }
0x9d: {  	[timem:s7], [sflag:s22] =	dma.local [hbm:s5], s20  }
0x9e: {  	_ =	swait.ge [sflag:s22], s20  }
0x9f: {  	s4 =	ssub.s32 $0x0, s20;
	[sflag:s22] =	ssyncset.done $0x0  }
0xa0: {  	[sflag:s22] =	ssyncadd.s32 s4;
	_ =	sdelay $0x1  }
0xa1: {  	s23 =	simm.s32 $0x1B8B  }
0xa2: {  	_ =	swait.ge [sflag:s23], $0x1  }
0xa3: {  	[sflag:s23] =	ssyncset.done $0x0  }
0xa4: {  	s25 =	simm.s32 $0x1B8E;
	s24 =	sld [smem:$0x3FFE];
	[sflag:s23] =	ssyncadd.s32 $0xFFFFFFFF  }
0xa5: {  	s26 =	simm.s32 $execute0_lowered;
	[smem:$0x3FD2] =	sst s25  }
0xa6: {  	s5 =	sshll.u32 s26, $0x1;
	_ =	strace $0x80000046;
	[dreg:$0x1] =	wrdreg $0xFFFFFFFF  }
0xa7: {  	s28 =	simm.s32 $_size_execute0_lowered;
	s3 =	sadd.s32 s3, s5;
	[dreg:$0x0] =	wrdreg $0x0  }
0xa8: {  	s5 =	sshll.u32 s28, $0x1;
	[dreg:$0x2] =	wrdreg s3  }
0xa9: {  	[dreg:$0x3] =	wrdreg s5  }
0xaa: {  	[dreg:$0x4] =	wrdreg $0xC0  }
0xab: {  	_ =	task [dreg:s7], $0x5FFFF  }
0xac: {  	[dreg:$0x1] =	wrdreg $0xFFFFFFFF  }
0xad: {  	[dreg:$0x0] =	wrdreg $0x60  }
0xae: {  	[dreg:$0x2] =	wrdreg s24  }
0xaf: {  	[dreg:$0x3] =	wrdreg s2  }
0xb0: {  	[dreg:$0x4] =	wrdreg $0x90000  }
0xb1: {  	[dreg:$0x5] =	wrdreg $0x9  }
0xb2: {  	_ =	task.clear_ibuf [dreg:s7], $0x6FFFF;
	_ =	strace $0x90000046  }
0xb3: {  	s29 =	simm.s32 $0x9;
	_ =	strace $0x80000048  }
0xb4: {  	_ =	swait.ge [sflag:s29], $0x1  }
0xb5: {  	[sflag:s29] =	ssyncadd.s32 $0xFFFFFFFF  }
0xb6: {  	_ =	strace $0x90000048  }
0xb7: {  	_ =	sfence  }
0xb8: {  	s30 =	sld [smem:$0x0];
	_ =	sdelay $0x2  }
0xb9: {  	s31 =	sshll.u32 s1, $0xD;
	s1 =	sshrl.u32 s1, $0x2  }
0xba: {  	s3 =	sand.u32 $0x4000, s31;
	s1 =	sadd.s32 s1, s30  }
0xbb: {  	s0 =	sor.u32 s3, s0;
	s1 =	sshll.u32 s1, $0x11  }
0xbc: {  	s0 =	sor.u32 s1, s0  }
0xbd: {  	s0 =	sadd.s32 $0x8F2B, s0  }
0xbe: {  	[sflag:s0] =	ssyncadd.remote.s32 $0x1  }
0xbf: {  	_ =	sfence.sel $0xFFFF  }
0xc0: {  	[dreg:$0x0] =	wrdreg $0xFFFFFFFF;
	(pc) =	sbr.abs _section_cstart, $3  }
0xc1: {  	[dreg:$0x1] =	wrdreg $0xFFFFFFFF  }
0xc2: {  	_ =	task.clear_ibuf [dreg:s7], $0x2FFFF;
	_ =	strace $0x9FFFFFFF  }
0xc3: {  	(tm) =	ssettm $0x7FFFFFFF  }
tec
execute0_lowered:
.L_overlay_start_1:
0x0: {  	(tag) =	ssettag $0x1  }
0x1: {  	s1 =	rddreg [dreg:$0x0]  }
0x2: {  	s0 =	srdreg.scid;
	s5 =	rddreg [dreg:$0x1]  }
0x3: {  	s10 =	stileid.u32;
	s2 =	rddreg [dreg:$0x2];
	s3 =	simm.s32 $0x0  }
0x4: {  	s14 =	simm.s32 $0x880;
	s15 =	simm.s32 $0x100;
	s17 =	simm.s32 $0x180  }
0x5: {  	s18 =	simm.s32 $0x900;
	[smem:$0x7FF] =	sst s3;
	s9 =	sadd.s32 $0x143200, s1  }
0x6: {  	s19 =	simm.s32 $0x980;
	_ =	strace $0x80000047;
	[dreg:$0x12] =	wrdreg s9  }
0x7: {  	s20 =	simm.s32 $0x200;
	s21 =	simm.s32 $0x280;
	[dreg:$0x6] =	wrdreg s14  }
0x8: {  	s22 =	simm.s32 $0xA00;
	s23 =	simm.s32 $0xA80;
	[dreg:$0x7] =	wrdreg s15  }
0x9: {  	s24 =	simm.s32 $0x300;
	s25 =	simm.s32 $0x380;
	[dreg:$0x8] =	wrdreg s17  }
0xa: {  	s28 =	simm.s32 $0x680;
	s29 =	simm.s32 $0xE00;
	[dreg:$0x9] =	wrdreg s18  }
0xb: {  	s30 =	simm.s32 $0xE80;
	s4 =	smul.u32 $0x5000, s10;
	[dreg:$0xa] =	wrdreg s19  }
0xc: {  	s31 =	simm.s32 $0x700;
	s8 =	smul.u32 $0x14000, s10;
	[dreg:$0xb] =	wrdreg s20  }
0xd: {  	s0 =	sand.u32 $0x1, s0;
	s12 =	smul.u32 $0x50000, s10;
	[dreg:$0xc] =	wrdreg s21  }
0xe: {  	s16 =	sshll.u32 s10, $0x6;
	s6 =	smul.u32 $0x2800, s0;
	[dreg:$0xd] =	wrdreg s22  }
0xf: {  	s10 =	simm.s32 $0x3;
	s7 =	smul.u32 $0x140000, s0;
	[dreg:$0xe] =	wrdreg s23  }
0x10: {  	s0 =	ssub.s32 $0x2, s0;
	[dreg:$0xf] =	wrdreg s24;
	s14 =	simm.s32 $0x5000  }
0x11: {  	[dreg:$0x10] =	wrdreg s25;
	s15 =	simm.s32 $0x1;
	s17 =	simm.s32 $0xB80  }
0x12: {  	s18 =	simm.s32 $0x400;
	s19 =	simm.s32 $0x480;
	s20 =	simm.s32 $0xC00  }
0x13: {  	s21 =	simm.s32 $0xC80;
	s22 =	simm.s32 $0x500;
	s23 =	simm.s32 $0x580  }
0x14: {  	s24 =	simm.s32 $0xD00;
	s25 =	simm.s32 $0xD80;
	s9 =	simm.s32 $0x0  }
0x15: {  	s11 =	sshrl.u32 s0, $0x1;
	s13 =	sshrl.u32 s12, $0x2;
	s12 =	simm.s32 $0x80  }
0x16: {  	s4 =	sadd.s32 s6, s4;
	s7 =	sadd.s32 s8, s7;
	s0 =	ssub.s32 s0, s11  }
0x17: {  	s11 =	simm.s32 $0x800;
	s6 =	sshrl.u32 s4, $0x3;
	s4 =	sadd.s32 $0xA00, s1  }
0x18: {  	s7 =	sshrl.u32 s7, $0x3;
	s0 =	smax.u32 s0, $0x1;
	s26 =	sadd.s32 s6, s1  }
0x19: {  	s1 =	sadd.s32 s7, s1;
	s5 =	sadd.s32 s6, s5;
	[dreg:$0x15] =	wrdreg s0  }
0x1a: {  	s6 =	sadd.s32 s13, s2;
	s7 =	sor.u32 $0x1C03, s16;
	[dreg:$0x5] =	wrdreg s5  }
0x1b: {  	s13 =	simm.s32 $0x1000;
	s8 =	sadd.s32 $0x139200, s26;
	[dreg:$0x13] =	wrdreg s7  }
0x1c: {  	s16 =	simm.s32 $0x2;
	s1 =	sadd.s32 $0x145A00, s1;
	[dreg:$0x4] =	wrdreg s8  }
0x1d: {  	s0 =	simm.s32 $0xF00;
	s26 =	simm.s32 $0xB00;
	[dreg:$0x14] =	wrdreg s1  }
0x1e: {  	s5 =	simm.s32 $0xF80;
	s8 =	sshrl.u32 s6, $0x3;
	[dreg:$0x11] =	wrdreg s26  }
0x1f: {  	s26 =	simm.s32 $0x600;
	s1 =	simm.s32 $0x780;
	[dreg:$0x16] =	wrdreg s8  }
.LBB2_1:
0x20: {  	[dreg:$0x17] =	wrdreg s9  }
0x21: {  	s6 =	rddreg [dreg:$0x12]  }
0x22: {  	[spmem:s8], [sflag:s7] =	dma.local [hbm:s6], $0x2800  }
0x23: {  	_ =	swait.ge [sflag:s10], $0x2800  }
0x24: {  	[sflag:s10] =	ssyncset.done $0x0  }
0x25: {  	[sflag:s10] =	ssyncadd.s32 $0xFFFFD800  }
0x26: {  	[bflag:$0x0] =	sbarrier.arrive $0xFFFF  }
0x27: {  	s9 =	rddreg [dreg:$0x5]  }
0x28: {  	s6 =	sadd.s32 $0x0, s9  }
0x29: {  	[tilespmem:s3], [sflag:$0x3] =	stream.linear.gather [hbm4b:s6+s3], $0x800, $0x38;
	[tilespmem:$0x1D000] =	vst v63  }
0x2a: {  	_ =	swait.ge [sflag:s10], $0x800  }
0x2b: {  	s7 =	rddreg [dreg:$0x4];
	[sflag:s10] =	ssyncset.done $0x0  }
0x2c: {  	[sflag:s10] =	ssyncadd.s32 $0xFFFFF800;
	s6 =	sadd.s32 $0x0, s7  }
0x2d: {  	[tilespmem:s11], [sflag:$0x3] =	stream.linear.gather [hbm4b:s6+s3], $0x800, $0x38;
	[tilespmem:$0x1D000] =	vst v63  }
0x2e: {  	_ =	swait.ge [sflag:s10], $0x800  }
0x2f: {  	[sflag:s10] =	ssyncset.done $0x0  }
0x30: {  	[sflag:s10] =	ssyncadd.s32 $0xFFFFF800  }
0x31: {  	[tilespmem:s13], [sflag:$0x1] =	stream.indirect.gather [hbm4b:s4+s12], $0x80, s3, s12, $0xb8;
	[tilespmem:$0x1D000] =	vst v63  }
0x32: {  	_ = 	snop  }
0x33: {  	[tilespmem:s14], [sflag:$0x1] =	stream.indirect.gather [hbm4b:s4+s12], $0x80, s12, s12, $0xb8;
	[tilespmem:$0x1D000] =	vst v63  }
0x34: {  	_ =	swait.ge [sflag:s15], $0x4000  }
0x35: {  	[sflag:s15] =	ssyncset.done $0x0  }
0x36: {  	[sflag:s15] =	ssyncadd.s32 $0xFFFFC000  }
0x37: {  	[spmem:s2] =	stream.indirect.scatter.add.f32 [tilespmem:s13], [sflag:$0x2], $0x80, s11, s12, $0xb8;
	[tilespmem:$0x1D000] =	vst v63  }
0x38: {  	_ =	swait.ge [sflag:s15], $0x4000  }
0x39: {  	[sflag:s15] =	ssyncset.done $0x0  }
0x3a: {  	s8 =	rddreg [dreg:$0x6];
	[sflag:s15] =	ssyncadd.s32 $0xFFFFC000  }
0x3b: {  	[spmem:s2] =	stream.indirect.scatter.add.f32 [tilespmem:s14], [sflag:$0x2], $0x80, s8, s12, $0xb8;
	[tilespmem:$0x1D000] =	vst v63  }
0x3c: {  	_ =	swait.ge [sflag:s16], $0x4000  }
0x3d: {  	[sflag:s16] =	ssyncset.done $0x0  }
0x3e: {  	[sflag:s16] =	ssyncadd.s32 $0xFFFFC000  }
0x3f: {  	_ =	swait.ge [sflag:s16], $0x4000  }
0x40: {  	[sflag:s16] =	ssyncset.done $0x0  }
0x41: {  	s9 =	rddreg [dreg:$0x7];
	[sflag:s16] =	ssyncadd.s32 $0xFFFFC000  }
0x42: {  	[tilespmem:s13], [sflag:$0x1] =	stream.indirect.gather [hbm4b:s4+s12], $0x80, s9, s12, $0xb8;
	[tilespmem:$0x1D000] =	vst v63  }
0x43: {  	s7 =	rddreg [dreg:$0x8]  }
0x44: {  	[tilespmem:s14], [sflag:$0x1] =	stream.indirect.gather [hbm4b:s4+s12], $0x80, s7, s12, $0xb8;
	[tilespmem:$0x1D000] =	vst v63  }
0x45: {  	_ =	swait.ge [sflag:s15], $0x4000  }
0x46: {  	[sflag:s15] =	ssyncset.done $0x0  }
0x47: {  	s9 =	rddreg [dreg:$0x9];
	[sflag:s15] =	ssyncadd.s32 $0xFFFFC000  }
0x48: {  	[spmem:s2] =	stream.indirect.scatter.add.f32 [tilespmem:s13], [sflag:$0x2], $0x80, s9, s12, $0xb8;
	[tilespmem:$0x1D000] =	vst v63  }
0x49: {  	_ =	swait.ge [sflag:s15], $0x4000  }
0x4a: {  	[sflag:s15] =	ssyncset.done $0x0  }
0x4b: {  	s7 =	rddreg [dreg:$0xa];
	[sflag:s15] =	ssyncadd.s32 $0xFFFFC000  }
0x4c: {  	[spmem:s2] =	stream.indirect.scatter.add.f32 [tilespmem:s14], [sflag:$0x2], $0x80, s7, s12, $0xb8;
	[tilespmem:$0x1D000] =	vst v63  }
0x4d: {  	_ =	swait.ge [sflag:s16], $0x4000  }
0x4e: {  	[sflag:s16] =	ssyncset.done $0x0  }
0x4f: {  	[sflag:s16] =	ssyncadd.s32 $0xFFFFC000  }
0x50: {  	_ =	swait.ge [sflag:s16], $0x4000  }
0x51: {  	[sflag:s16] =	ssyncset.done $0x0  }
0x52: {  	s8 =	rddreg [dreg:$0xb];
	[sflag:s16] =	ssyncadd.s32 $0xFFFFC000  }
0x53: {  	[tilespmem:s13], [sflag:$0x1] =	stream.indirect.gather [hbm4b:s4+s12], $0x80, s8, s12, $0xb8;
	[tilespmem:$0x1D000] =	vst v63  }
0x54: {  	s9 =	rddreg [dreg:$0xc]  }
0x55: {  	[tilespmem:s14], [sflag:$0x1] =	stream.indirect.gather [hbm4b:s4+s12], $0x80, s9, s12, $0xb8;
	[tilespmem:$0x1D000] =	vst v63  }
0x56: {  	_ =	swait.ge [sflag:s15], $0x4000  }
0x57: {  	[sflag:s15] =	ssyncset.done $0x0  }
0x58: {  	s7 =	rddreg [dreg:$0xd];
	[sflag:s15] =	ssyncadd.s32 $0xFFFFC000  }
0x59: {  	[spmem:s2] =	stream.indirect.scatter.add.f32 [tilespmem:s13], [sflag:$0x2], $0x80, s7, s12, $0xb8;
	[tilespmem:$0x1D000] =	vst v63  }
0x5a: {  	_ =	swait.ge [sflag:s15], $0x4000  }
0x5b: {  	[sflag:s15] =	ssyncset.done $0x0  }
0x5c: {  	s8 =	rddreg [dreg:$0xe];
	[sflag:s15] =	ssyncadd.s32 $0xFFFFC000  }
0x5d: {  	[spmem:s2] =	stream.indirect.scatter.add.f32 [tilespmem:s14], [sflag:$0x2], $0x80, s8, s12, $0xb8;
	[tilespmem:$0x1D000] =	vst v63  }
0x5e: {  	_ =	swait.ge [sflag:s16], $0x4000  }
0x5f: {  	[sflag:s16] =	ssyncset.done $0x0  }
0x60: {  	[sflag:s16] =	ssyncadd.s32 $0xFFFFC000  }
0x61: {  	_ =	swait.ge [sflag:s16], $0x4000  }
0x62: {  	[sflag:s16] =	ssyncset.done $0x0  }
0x63: {  	s9 =	rddreg [dreg:$0xf];
	[sflag:s16] =	ssyncadd.s32 $0xFFFFC000  }
0x64: {  	[tilespmem:s13], [sflag:$0x1] =	stream.indirect.gather [hbm4b:s4+s12], $0x80, s9, s12, $0xb8;
	[tilespmem:$0x1D000] =	vst v63  }
0x65: {  	s7 =	rddreg [dreg:$0x10]  }
0x66: {  	[tilespmem:s14], [sflag:$0x1] =	stream.indirect.gather [hbm4b:s4+s12], $0x80, s7, s12, $0xb8;
	[tilespmem:$0x1D000] =	vst v63  }
0x67: {  	_ =	swait.ge [sflag:s15], $0x4000  }
0x68: {  	[sflag:s15] =	ssyncset.done $0x0  }
0x69: {  	s9 =	rddreg [dreg:$0x11];
	[sflag:s15] =	ssyncadd.s32 $0xFFFFC000  }
0x6a: {  	[spmem:s2] =	stream.indirect.scatter.add.f32 [tilespmem:s13], [sflag:$0x2], $0x80, s9, s12, $0xb8;
	[tilespmem:$0x1D000] =	vst v63  }
0x6b: {  	_ =	swait.ge [sflag:s15], $0x4000  }
0x6c: {  	[sflag:s15] =	ssyncset.done $0x0  }
0x6d: {  	[sflag:s15] =	ssyncadd.s32 $0xFFFFC000  }
0x6e: {  	[spmem:s2] =	stream.indirect.scatter.add.f32 [tilespmem:s14], [sflag:$0x2], $0x80, s17, s12, $0xb8;
	[tilespmem:$0x1D000] =	vst v63  }
0x6f: {  	_ =	swait.ge [sflag:s16], $0x4000  }
0x70: {  	[sflag:s16] =	ssyncset.done $0x0  }
0x71: {  	[sflag:s16] =	ssyncadd.s32 $0xFFFFC000  }
0x72: {  	_ =	swait.ge [sflag:s16], $0x4000  }
0x73: {  	[sflag:s16] =	ssyncset.done $0x0  }
0x74: {  	[sflag:s16] =	ssyncadd.s32 $0xFFFFC000  }
0x75: {  	[tilespmem:s13], [sflag:$0x1] =	stream.indirect.gather [hbm4b:s4+s12], $0x80, s18, s12, $0xb8;
	[tilespmem:$0x1D000] =	vst v63  }
0x76: {  	_ = 	snop  }
0x77: {  	[tilespmem:s14], [sflag:$0x1] =	stream.indirect.gather [hbm4b:s4+s12], $0x80, s19, s12, $0xb8;
	[tilespmem:$0x1D000] =	vst v63  }
0x78: {  	_ =	swait.ge [sflag:s15], $0x4000  }
0x79: {  	[sflag:s15] =	ssyncset.done $0x0  }
0x7a: {  	[sflag:s15] =	ssyncadd.s32 $0xFFFFC000  }
0x7b: {  	[spmem:s2] =	stream.indirect.scatter.add.f32 [tilespmem:s13], [sflag:$0x2], $0x80, s20, s12, $0xb8;
	[tilespmem:$0x1D000] =	vst v63  }
0x7c: {  	_ =	swait.ge [sflag:s15], $0x4000  }
0x7d: {  	[sflag:s15] =	ssyncset.done $0x0  }
0x7e: {  	[sflag:s15] =	ssyncadd.s32 $0xFFFFC000  }
0x7f: {  	[spmem:s2] =	stream.indirect.scatter.add.f32 [tilespmem:s14], [sflag:$0x2], $0x80, s21, s12, $0xb8;
	[tilespmem:$0x1D000] =	vst v63  }
0x80: {  	_ =	swait.ge [sflag:s16], $0x4000  }
0x81: {  	[sflag:s16] =	ssyncset.done $0x0  }
0x82: {  	[sflag:s16] =	ssyncadd.s32 $0xFFFFC000  }
0x83: {  	_ =	swait.ge [sflag:s16], $0x4000  }
0x84: {  	[sflag:s16] =	ssyncset.done $0x0  }
0x85: {  	[sflag:s16] =	ssyncadd.s32 $0xFFFFC000  }
0x86: {  	[tilespmem:s13], [sflag:$0x1] =	stream.indirect.gather [hbm4b:s4+s12], $0x80, s22, s12, $0xb8;
	[tilespmem:$0x1D000] =	vst v63  }
0x87: {  	_ = 	snop  }
0x88: {  	[tilespmem:s14], [sflag:$0x1] =	stream.indirect.gather [hbm4b:s4+s12], $0x80, s23, s12, $0xb8;
	[tilespmem:$0x1D000] =	vst v63  }
0x89: {  	_ =	swait.ge [sflag:s15], $0x4000  }
0x8a: {  	[sflag:s15] =	ssyncset.done $0x0  }
0x8b: {  	[sflag:s15] =	ssyncadd.s32 $0xFFFFC000  }
0x8c: {  	[spmem:s2] =	stream.indirect.scatter.add.f32 [tilespmem:s13], [sflag:$0x2], $0x80, s24, s12, $0xb8;
	[tilespmem:$0x1D000] =	vst v63  }
0x8d: {  	_ =	swait.ge [sflag:s15], $0x4000  }
0x8e: {  	[sflag:s15] =	ssyncset.done $0x0  }
0x8f: {  	[sflag:s15] =	ssyncadd.s32 $0xFFFFC000  }
0x90: {  	[spmem:s2] =	stream.indirect.scatter.add.f32 [tilespmem:s14], [sflag:$0x2], $0x80, s25, s12, $0xb8;
	[tilespmem:$0x1D000] =	vst v63  }
0x91: {  	_ =	swait.ge [sflag:s16], $0x4000  }
0x92: {  	[sflag:s16] =	ssyncset.done $0x0  }
0x93: {  	[sflag:s16] =	ssyncadd.s32 $0xFFFFC000  }
0x94: {  	_ =	swait.ge [sflag:s16], $0x4000  }
0x95: {  	[sflag:s16] =	ssyncset.done $0x0  }
0x96: {  	[sflag:s16] =	ssyncadd.s32 $0xFFFFC000  }
0x97: {  	[tilespmem:s13], [sflag:$0x1] =	stream.indirect.gather [hbm4b:s4+s12], $0x80, s26, s12, $0xb8;
	[tilespmem:$0x1D000] =	vst v63  }
0x98: {  	_ = 	snop  }
0x99: {  	[tilespmem:s14], [sflag:$0x1] =	stream.indirect.gather [hbm4b:s4+s12], $0x80, s28, s12, $0xb8;
	[tilespmem:$0x1D000] =	vst v63  }
0x9a: {  	_ =	swait.ge [sflag:s15], $0x4000  }
0x9b: {  	[sflag:s15] =	ssyncset.done $0x0  }
0x9c: {  	[sflag:s15] =	ssyncadd.s32 $0xFFFFC000  }
0x9d: {  	[spmem:s2] =	stream.indirect.scatter.add.f32 [tilespmem:s13], [sflag:$0x2], $0x80, s29, s12, $0xb8;
	[tilespmem:$0x1D000] =	vst v63  }
0x9e: {  	_ =	swait.ge [sflag:s15], $0x4000  }
0x9f: {  	[sflag:s15] =	ssyncset.done $0x0  }
0xa0: {  	[sflag:s15] =	ssyncadd.s32 $0xFFFFC000  }
0xa1: {  	[spmem:s2] =	stream.indirect.scatter.add.f32 [tilespmem:s14], [sflag:$0x2], $0x80, s30, s12, $0xb8;
	[tilespmem:$0x1D000] =	vst v63  }
0xa2: {  	_ =	swait.ge [sflag:s16], $0x4000  }
0xa3: {  	[sflag:s16] =	ssyncset.done $0x0  }
0xa4: {  	[sflag:s16] =	ssyncadd.s32 $0xFFFFC000  }
0xa5: {  	_ =	swait.ge [sflag:s16], $0x4000  }
0xa6: {  	[sflag:s16] =	ssyncset.done $0x0  }
0xa7: {  	[sflag:s16] =	ssyncadd.s32 $0xFFFFC000  }
0xa8: {  	[tilespmem:s13], [sflag:$0x1] =	stream.indirect.gather [hbm4b:s4+s12], $0x80, s31, s12, $0xb8;
	[tilespmem:$0x1D000] =	vst v63  }
0xa9: {  	_ = 	snop  }
0xaa: {  	[tilespmem:s14], [sflag:$0x1] =	stream.indirect.gather [hbm4b:s4+s12], $0x80, s1, s12, $0xb8;
	[tilespmem:$0x1D000] =	vst v63  }
0xab: {  	_ =	swait.ge [sflag:s15], $0x4000  }
0xac: {  	[sflag:s15] =	ssyncset.done $0x0  }
0xad: {  	[sflag:s15] =	ssyncadd.s32 $0xFFFFC000  }
0xae: {  	[spmem:s2] =	stream.indirect.scatter.add.f32 [tilespmem:s13], [sflag:$0x2], $0x80, s0, s12, $0xb8;
	[tilespmem:$0x1D000] =	vst v63  }
0xaf: {  	_ =	swait.ge [sflag:s15], $0x4000  }
0xb0: {  	[sflag:s15] =	ssyncset.done $0x0  }
0xb1: {  	[sflag:s15] =	ssyncadd.s32 $0xFFFFC000  }
0xb2: {  	[spmem:s2] =	stream.indirect.scatter.add.f32 [tilespmem:s14], [sflag:$0x2], $0x80, s5, s12, $0xb8;
	[tilespmem:$0x1D000] =	vst v63  }
0xb3: {  	_ =	swait.ge [sflag:s16], $0x4000  }
0xb4: {  	[sflag:s16] =	ssyncset.done $0x0  }
0xb5: {  	[sflag:s16] =	ssyncadd.s32 $0xFFFFC000  }
0xb6: {  	s6 =	simm.s32 $0x200;
	_ =	swait.ge [sflag:s16], $0x4000  }
0xb7: {  	s8 =	simm.s32 $0x100;
	s9 =	rddreg [dreg:$0x5];
	[sflag:s16] =	ssyncset.done $0x0  }
.LBB2_2:
0xb8: {  	[sflag:s16] =	ssyncadd.s32 $0xFFFFC000;
	s9 =	sadd.s32 s8, s9  }
0xb9: {  	[tilespmem:s3], [sflag:$0x3] =	stream.linear.gather [hbm4b:s9+s3], $0x800, $0x38;
	[tilespmem:$0x1D000] =	vst v63  }
0xba: {  	_ =	swait.ge [sflag:s10], $0x800  }
0xbb: {  	s9 =	rddreg [dreg:$0x4];
	[sflag:s10] =	ssyncset.done $0x0  }
0xbc: {  	[sflag:s10] =	ssyncadd.s32 $0xFFFFF800;
	s9 =	sadd.s32 s8, s9  }
0xbd: {  	[tilespmem:s11], [sflag:$0x3] =	stream.linear.gather [hbm4b:s9+s3], $0x800, $0x38;
	[tilespmem:$0x1D000] =	vst v63  }
0xbe: {  	_ =	swait.ge [sflag:s10], $0x800  }
0xbf: {  	[sflag:s10] =	ssyncset.done $0x0  }
0xc0: {  	[sflag:s10] =	ssyncadd.s32 $0xFFFFF800  }
0xc1: {  	[tilespmem:s13], [sflag:$0x1] =	stream.indirect.gather [hbm4b:s4+s12], $0x80, s3, s12, $0xb8;
	[tilespmem:$0x1D000] =	vst v63  }
0xc2: {  	_ = 	snop  }
0xc3: {  	[tilespmem:s14], [sflag:$0x1] =	stream.indirect.gather [hbm4b:s4+s12], $0x80, s12, s12, $0xb8;
	[tilespmem:$0x1D000] =	vst v63  }
0xc4: {  	_ =	swait.ge [sflag:s15], $0x4000  }
0xc5: {  	[sflag:s15] =	ssyncset.done $0x0  }
0xc6: {  	[sflag:s15] =	ssyncadd.s32 $0xFFFFC000  }
0xc7: {  	[spmem:s2] =	stream.indirect.scatter.add.f32 [tilespmem:s13], [sflag:$0x2], $0x80, s11, s12, $0xb8;
	[tilespmem:$0x1D000] =	vst v63  }
0xc8: {  	_ =	swait.ge [sflag:s15], $0x4000  }
0xc9: {  	[sflag:s15] =	ssyncset.done $0x0  }
0xca: {  	s9 =	rddreg [dreg:$0x6];
	[sflag:s15] =	ssyncadd.s32 $0xFFFFC000  }
0xcb: {  	[spmem:s2] =	stream.indirect.scatter.add.f32 [tilespmem:s14], [sflag:$0x2], $0x80, s9, s12, $0xb8;
	[tilespmem:$0x1D000] =	vst v63  }
0xcc: {  	_ =	swait.ge [sflag:s16], $0x4000  }
0xcd: {  	[sflag:s16] =	ssyncset.done $0x0  }
0xce: {  	[sflag:s16] =	ssyncadd.s32 $0xFFFFC000  }
0xcf: {  	_ =	swait.ge [sflag:s16], $0x4000  }
0xd0: {  	s7 =	smov.u32 s6;
	[sflag:s16] =	ssyncset.done $0x0  }
0xd1: {  	s8 =	smov.u32 s7;
	s7 =	rddreg [dreg:$0x7];
	[sflag:s16] =	ssyncadd.s32 $0xFFFFC000  }
0xd2: {  	[tilespmem:s13], [sflag:$0x1] =	stream.indirect.gather [hbm4b:s4+s12], $0x80, s7, s12, $0xb8;
	[tilespmem:$0x1D000] =	vst v63  }
0xd3: {  	s9 =	rddreg [dreg:$0x8]  }
0xd4: {  	[tilespmem:s14], [sflag:$0x1] =	stream.indirect.gather [hbm4b:s4+s12], $0x80, s9, s12, $0xb8;
	[tilespmem:$0x1D000] =	vst v63  }
0xd5: {  	_ =	swait.ge [sflag:s15], $0x4000  }
0xd6: {  	[sflag:s15] =	ssyncset.done $0x0  }
0xd7: {  	s9 =	rddreg [dreg:$0x9];
	[sflag:s15] =	ssyncadd.s32 $0xFFFFC000  }
0xd8: {  	[spmem:s2] =	stream.indirect.scatter.add.f32 [tilespmem:s13], [sflag:$0x2], $0x80, s9, s12, $0xb8;
	[tilespmem:$0x1D000] =	vst v63  }
0xd9: {  	_ =	swait.ge [sflag:s15], $0x4000  }
0xda: {  	[sflag:s15] =	ssyncset.done $0x0  }
0xdb: {  	s9 =	rddreg [dreg:$0xa];
	[sflag:s15] =	ssyncadd.s32 $0xFFFFC000  }
0xdc: {  	[spmem:s2] =	stream.indirect.scatter.add.f32 [tilespmem:s14], [sflag:$0x2], $0x80, s9, s12, $0xb8;
	[tilespmem:$0x1D000] =	vst v63  }
0xdd: {  	_ =	swait.ge [sflag:s16], $0x4000  }
0xde: {  	[sflag:s16] =	ssyncset.done $0x0  }
0xdf: {  	[sflag:s16] =	ssyncadd.s32 $0xFFFFC000  }
0xe0: {  	_ =	swait.ge [sflag:s16], $0x4000  }
0xe1: {  	[sflag:s16] =	ssyncset.done $0x0  }
0xe2: {  	s7 =	rddreg [dreg:$0xb];
	[sflag:s16] =	ssyncadd.s32 $0xFFFFC000  }
0xe3: {  	[tilespmem:s13], [sflag:$0x1] =	stream.indirect.gather [hbm4b:s4+s12], $0x80, s7, s12, $0xb8;
	[tilespmem:$0x1D000] =	vst v63  }
0xe4: {  	s9 =	rddreg [dreg:$0xc]  }
0xe5: {  	[tilespmem:s14], [sflag:$0x1] =	stream.indirect.gather [hbm4b:s4+s12], $0x80, s9, s12, $0xb8;
	[tilespmem:$0x1D000] =	vst v63  }
0xe6: {  	_ =	swait.ge [sflag:s15], $0x4000  }
0xe7: {  	[sflag:s15] =	ssyncset.done $0x0  }
0xe8: {  	s9 =	rddreg [dreg:$0xd];
	[sflag:s15] =	ssyncadd.s32 $0xFFFFC000  }
0xe9: {  	[spmem:s2] =	stream.indirect.scatter.add.f32 [tilespmem:s13], [sflag:$0x2], $0x80, s9, s12, $0xb8;
	[tilespmem:$0x1D000] =	vst v63  }
0xea: {  	_ =	swait.ge [sflag:s15], $0x4000  }
0xeb: {  	[sflag:s15] =	ssyncset.done $0x0  }
0xec: {  	s9 =	rddreg [dreg:$0xe];
	[sflag:s15] =	ssyncadd.s32 $0xFFFFC000  }
0xed: {  	[spmem:s2] =	stream.indirect.scatter.add.f32 [tilespmem:s14], [sflag:$0x2], $0x80, s9, s12, $0xb8;
	[tilespmem:$0x1D000] =	vst v63  }
0xee: {  	_ =	swait.ge [sflag:s16], $0x4000  }
0xef: {  	[sflag:s16] =	ssyncset.done $0x0  }
0xf0: {  	[sflag:s16] =	ssyncadd.s32 $0xFFFFC000  }
0xf1: {  	_ =	swait.ge [sflag:s16], $0x4000  }
0xf2: {  	[sflag:s16] =	ssyncset.done $0x0  }
0xf3: {  	s7 =	rddreg [dreg:$0xf];
	[sflag:s16] =	ssyncadd.s32 $0xFFFFC000  }
0xf4: {  	[tilespmem:s13], [sflag:$0x1] =	stream.indirect.gather [hbm4b:s4+s12], $0x80, s7, s12, $0xb8;
	[tilespmem:$0x1D000] =	vst v63  }
0xf5: {  	s9 =	rddreg [dreg:$0x10]  }
0xf6: {  	[tilespmem:s14], [sflag:$0x1] =	stream.indirect.gather [hbm4b:s4+s12], $0x80, s9, s12, $0xb8;
	[tilespmem:$0x1D000] =	vst v63  }
0xf7: {  	_ =	swait.ge [sflag:s15], $0x4000  }
0xf8: {  	[sflag:s15] =	ssyncset.done $0x0  }
0xf9: {  	s9 =	rddreg [dreg:$0x11];
	[sflag:s15] =	ssyncadd.s32 $0xFFFFC000  }
0xfa: {  	[spmem:s2] =	stream.indirect.scatter.add.f32 [tilespmem:s13], [sflag:$0x2], $0x80, s9, s12, $0xb8;
	[tilespmem:$0x1D000] =	vst v63  }
0xfb: {  	_ =	swait.ge [sflag:s15], $0x4000  }
0xfc: {  	[sflag:s15] =	ssyncset.done $0x0  }
0xfd: {  	[sflag:s15] =	ssyncadd.s32 $0xFFFFC000  }
0xfe: {  	[spmem:s2] =	stream.indirect.scatter.add.f32 [tilespmem:s14], [sflag:$0x2], $0x80, s17, s12, $0xb8;
	[tilespmem:$0x1D000] =	vst v63  }
0xff: {  	_ =	swait.ge [sflag:s16], $0x4000  }
0x100: {  	[sflag:s16] =	ssyncset.done $0x0  }
0x101: {  	[sflag:s16] =	ssyncadd.s32 $0xFFFFC000  }
0x102: {  	_ =	swait.ge [sflag:s16], $0x4000  }
0x103: {  	[sflag:s16] =	ssyncset.done $0x0  }
0x104: {  	[sflag:s16] =	ssyncadd.s32 $0xFFFFC000  }
0x105: {  	[tilespmem:s13], [sflag:$0x1] =	stream.indirect.gather [hbm4b:s4+s12], $0x80, s18, s12, $0xb8;
	[tilespmem:$0x1D000] =	vst v63  }
0x106: {  	_ = 	snop  }
0x107: {  	[tilespmem:s14], [sflag:$0x1] =	stream.indirect.gather [hbm4b:s4+s12], $0x80, s19, s12, $0xb8;
	[tilespmem:$0x1D000] =	vst v63  }
0x108: {  	_ =	swait.ge [sflag:s15], $0x4000  }
0x109: {  	[sflag:s15] =	ssyncset.done $0x0  }
0x10a: {  	[sflag:s15] =	ssyncadd.s32 $0xFFFFC000  }
0x10b: {  	[spmem:s2] =	stream.indirect.scatter.add.f32 [tilespmem:s13], [sflag:$0x2], $0x80, s20, s12, $0xb8;
	[tilespmem:$0x1D000] =	vst v63  }
0x10c: {  	_ =	swait.ge [sflag:s15], $0x4000  }
0x10d: {  	[sflag:s15] =	ssyncset.done $0x0  }
0x10e: {  	[sflag:s15] =	ssyncadd.s32 $0xFFFFC000  }
0x10f: {  	[spmem:s2] =	stream.indirect.scatter.add.f32 [tilespmem:s14], [sflag:$0x2], $0x80, s21, s12, $0xb8;
	[tilespmem:$0x1D000] =	vst v63  }
0x110: {  	_ =	swait.ge [sflag:s16], $0x4000  }
0x111: {  	[sflag:s16] =	ssyncset.done $0x0  }
0x112: {  	[sflag:s16] =	ssyncadd.s32 $0xFFFFC000  }
0x113: {  	_ =	swait.ge [sflag:s16], $0x4000  }
0x114: {  	[sflag:s16] =	ssyncset.done $0x0  }
0x115: {  	[sflag:s16] =	ssyncadd.s32 $0xFFFFC000  }
0x116: {  	[tilespmem:s13], [sflag:$0x1] =	stream.indirect.gather [hbm4b:s4+s12], $0x80, s22, s12, $0xb8;
	[tilespmem:$0x1D000] =	vst v63  }
0x117: {  	_ = 	snop  }
0x118: {  	[tilespmem:s14], [sflag:$0x1] =	stream.indirect.gather [hbm4b:s4+s12], $0x80, s23, s12, $0xb8;
	[tilespmem:$0x1D000] =	vst v63  }
0x119: {  	_ =	swait.ge [sflag:s15], $0x4000  }
0x11a: {  	[sflag:s15] =	ssyncset.done $0x0  }
0x11b: {  	[sflag:s15] =	ssyncadd.s32 $0xFFFFC000  }
0x11c: {  	[spmem:s2] =	stream.indirect.scatter.add.f32 [tilespmem:s13], [sflag:$0x2], $0x80, s24, s12, $0xb8;
	[tilespmem:$0x1D000] =	vst v63  }
0x11d: {  	_ =	swait.ge [sflag:s15], $0x4000  }
0x11e: {  	[sflag:s15] =	ssyncset.done $0x0  }
0x11f: {  	[sflag:s15] =	ssyncadd.s32 $0xFFFFC000  }
0x120: {  	[spmem:s2] =	stream.indirect.scatter.add.f32 [tilespmem:s14], [sflag:$0x2], $0x80, s25, s12, $0xb8;
	[tilespmem:$0x1D000] =	vst v63  }
0x121: {  	_ =	swait.ge [sflag:s16], $0x4000  }
0x122: {  	[sflag:s16] =	ssyncset.done $0x0  }
0x123: {  	[sflag:s16] =	ssyncadd.s32 $0xFFFFC000  }
0x124: {  	_ =	swait.ge [sflag:s16], $0x4000  }
0x125: {  	[sflag:s16] =	ssyncset.done $0x0  }
0x126: {  	[sflag:s16] =	ssyncadd.s32 $0xFFFFC000  }
0x127: {  	[tilespmem:s13], [sflag:$0x1] =	stream.indirect.gather [hbm4b:s4+s12], $0x80, s26, s12, $0xb8;
	[tilespmem:$0x1D000] =	vst v63  }
0x128: {  	_ = 	snop  }
0x129: {  	[tilespmem:s14], [sflag:$0x1] =	stream.indirect.gather [hbm4b:s4+s12], $0x80, s28, s12, $0xb8;
	[tilespmem:$0x1D000] =	vst v63  }
0x12a: {  	_ =	swait.ge [sflag:s15], $0x4000  }
0x12b: {  	[sflag:s15] =	ssyncset.done $0x0  }
0x12c: {  	[sflag:s15] =	ssyncadd.s32 $0xFFFFC000  }
0x12d: {  	[spmem:s2] =	stream.indirect.scatter.add.f32 [tilespmem:s13], [sflag:$0x2], $0x80, s29, s12, $0xb8;
	[tilespmem:$0x1D000] =	vst v63  }
0x12e: {  	_ =	swait.ge [sflag:s15], $0x4000  }
0x12f: {  	[sflag:s15] =	ssyncset.done $0x0  }
0x130: {  	[sflag:s15] =	ssyncadd.s32 $0xFFFFC000  }
0x131: {  	[spmem:s2] =	stream.indirect.scatter.add.f32 [tilespmem:s14], [sflag:$0x2], $0x80, s30, s12, $0xb8;
	[tilespmem:$0x1D000] =	vst v63  }
0x132: {  	_ =	swait.ge [sflag:s16], $0x4000  }
0x133: {  	[sflag:s16] =	ssyncset.done $0x0  }
0x134: {  	[sflag:s16] =	ssyncadd.s32 $0xFFFFC000  }
0x135: {  	_ =	swait.ge [sflag:s16], $0x4000  }
0x136: {  	[sflag:s16] =	ssyncset.done $0x0  }
0x137: {  	[sflag:s16] =	ssyncadd.s32 $0xFFFFC000  }
0x138: {  	[tilespmem:s13], [sflag:$0x1] =	stream.indirect.gather [hbm4b:s4+s12], $0x80, s31, s12, $0xb8;
	[tilespmem:$0x1D000] =	vst v63  }
0x139: {  	_ = 	snop  }
0x13a: {  	[tilespmem:s14], [sflag:$0x1] =	stream.indirect.gather [hbm4b:s4+s12], $0x80, s1, s12, $0xb8;
	[tilespmem:$0x1D000] =	vst v63  }
0x13b: {  	_ =	swait.ge [sflag:s15], $0x4000  }
0x13c: {  	[sflag:s15] =	ssyncset.done $0x0  }
0x13d: {  	[sflag:s15] =	ssyncadd.s32 $0xFFFFC000  }
0x13e: {  	[spmem:s2] =	stream.indirect.scatter.add.f32 [tilespmem:s13], [sflag:$0x2], $0x80, s0, s12, $0xb8;
	[tilespmem:$0x1D000] =	vst v63  }
0x13f: {  	_ =	swait.ge [sflag:s15], $0x4000  }
0x140: {  	[sflag:s15] =	ssyncset.done $0x0  }
0x141: {  	p0 =	sne.s32 s6, $0x400;
	[sflag:s15] =	ssyncadd.s32 $0xFFFFC000  }
0x142: {  	[spmem:s2] =	stream.indirect.scatter.add.f32 [tilespmem:s14], [sflag:$0x2], $0x80, s5, s12, $0xb8;
	[tilespmem:$0x1D000] =	vst v63  }
.Ltmp0:
0x143: {  	_ =	swait.ge [sflag:s16], $0x4000;
	(pc) =	sbr.rel @p0 .LBB2_2-.Ltmp0, $4  }
0x144: {  	[sflag:s16] =	ssyncset.done $0x0  }
0x145: {  	[sflag:s16] =	ssyncadd.s32 $0xFFFFC000  }
0x146: {  	_ =	swait.ge [sflag:s16], $0x4000  }
0x147: {  	s6 =	sadd.s32 $0x100, s6;
	s9 =	rddreg [dreg:$0x5];
	[sflag:s16] =	ssyncset.done $0x0  }
0x148: {  	[sflag:s16] =	ssyncadd.s32 $0xFFFFC000;
	s6 =	sadd.s32 s8, s9  }
0x149: {  	[tilespmem:s3], [sflag:$0x3] =	stream.linear.gather [hbm4b:s6+s3], $0x800, $0x38;
	[tilespmem:$0x1D000] =	vst v63  }
0x14a: {  	_ =	swait.ge [sflag:s10], $0x800  }
0x14b: {  	s7 =	rddreg [dreg:$0x4];
	[sflag:s10] =	ssyncset.done $0x0  }
0x14c: {  	[sflag:s10] =	ssyncadd.s32 $0xFFFFF800;
	s6 =	sadd.s32 s8, s7  }
0x14d: {  	[tilespmem:s11], [sflag:$0x3] =	stream.linear.gather [hbm4b:s6+s3], $0x800, $0x38;
	[tilespmem:$0x1D000] =	vst v63  }
0x14e: {  	_ =	swait.ge [sflag:s10], $0x800  }
0x14f: {  	[sflag:s10] =	ssyncset.done $0x0  }
0x150: {  	[sflag:s10] =	ssyncadd.s32 $0xFFFFF800  }
0x151: {  	[tilespmem:s13], [sflag:$0x1] =	stream.indirect.gather [hbm4b:s4+s12], $0x80, s3, s12, $0xb8;
	[tilespmem:$0x1D000] =	vst v63  }
0x152: {  	_ = 	snop  }
0x153: {  	[tilespmem:s14], [sflag:$0x1] =	stream.indirect.gather [hbm4b:s4+s12], $0x80, s12, s12, $0xb8;
	[tilespmem:$0x1D000] =	vst v63  }
0x154: {  	_ =	swait.ge [sflag:s15], $0x4000  }
0x155: {  	[sflag:s15] =	ssyncset.done $0x0  }
0x156: {  	[sflag:s15] =	ssyncadd.s32 $0xFFFFC000  }
0x157: {  	[spmem:s2] =	stream.indirect.scatter.add.f32 [tilespmem:s13], [sflag:$0x2], $0x80, s11, s12, $0xb8;
	[tilespmem:$0x1D000] =	vst v63  }
0x158: {  	_ =	swait.ge [sflag:s15], $0x4000  }
0x159: {  	[sflag:s15] =	ssyncset.done $0x0  }
0x15a: {  	s8 =	rddreg [dreg:$0x6];
	[sflag:s15] =	ssyncadd.s32 $0xFFFFC000  }
0x15b: {  	[spmem:s2] =	stream.indirect.scatter.add.f32 [tilespmem:s14], [sflag:$0x2], $0x80, s8, s12, $0xb8;
	[tilespmem:$0x1D000] =	vst v63  }
0x15c: {  	_ =	swait.ge [sflag:s16], $0x4000  }
0x15d: {  	[sflag:s16] =	ssyncset.done $0x0  }
0x15e: {  	[sflag:s16] =	ssyncadd.s32 $0xFFFFC000  }
0x15f: {  	_ =	swait.ge [sflag:s16], $0x4000  }
0x160: {  	[sflag:s16] =	ssyncset.done $0x0  }
0x161: {  	s9 =	rddreg [dreg:$0x7];
	[sflag:s16] =	ssyncadd.s32 $0xFFFFC000  }
0x162: {  	[tilespmem:s13], [sflag:$0x1] =	stream.indirect.gather [hbm4b:s4+s12], $0x80, s9, s12, $0xb8;
	[tilespmem:$0x1D000] =	vst v63  }
0x163: {  	s7 =	rddreg [dreg:$0x8]  }
0x164: {  	[tilespmem:s14], [sflag:$0x1] =	stream.indirect.gather [hbm4b:s4+s12], $0x80, s7, s12, $0xb8;
	[tilespmem:$0x1D000] =	vst v63  }
0x165: {  	_ =	swait.ge [sflag:s15], $0x4000  }
0x166: {  	[sflag:s15] =	ssyncset.done $0x0  }
0x167: {  	s8 =	rddreg [dreg:$0x9];
	[sflag:s15] =	ssyncadd.s32 $0xFFFFC000  }
0x168: {  	[spmem:s2] =	stream.indirect.scatter.add.f32 [tilespmem:s13], [sflag:$0x2], $0x80, s8, s12, $0xb8;
	[tilespmem:$0x1D000] =	vst v63  }
0x169: {  	_ =	swait.ge [sflag:s15], $0x4000  }
0x16a: {  	[sflag:s15] =	ssyncset.done $0x0  }
0x16b: {  	s9 =	rddreg [dreg:$0xa];
	[sflag:s15] =	ssyncadd.s32 $0xFFFFC000  }
0x16c: {  	[spmem:s2] =	stream.indirect.scatter.add.f32 [tilespmem:s14], [sflag:$0x2], $0x80, s9, s12, $0xb8;
	[tilespmem:$0x1D000] =	vst v63  }
0x16d: {  	_ =	swait.ge [sflag:s16], $0x4000  }
0x16e: {  	[sflag:s16] =	ssyncset.done $0x0  }
0x16f: {  	[sflag:s16] =	ssyncadd.s32 $0xFFFFC000  }
0x170: {  	_ =	swait.ge [sflag:s16], $0x4000  }
0x171: {  	[sflag:s16] =	ssyncset.done $0x0  }
0x172: {  	s7 =	rddreg [dreg:$0xb];
	[sflag:s16] =	ssyncadd.s32 $0xFFFFC000  }
0x173: {  	[tilespmem:s13], [sflag:$0x1] =	stream.indirect.gather [hbm4b:s4+s12], $0x80, s7, s12, $0xb8;
	[tilespmem:$0x1D000] =	vst v63  }
0x174: {  	s8 =	rddreg [dreg:$0xc]  }
0x175: {  	[tilespmem:s14], [sflag:$0x1] =	stream.indirect.gather [hbm4b:s4+s12], $0x80, s8, s12, $0xb8;
	[tilespmem:$0x1D000] =	vst v63  }
0x176: {  	_ =	swait.ge [sflag:s15], $0x4000  }
0x177: {  	[sflag:s15] =	ssyncset.done $0x0  }
0x178: {  	s9 =	rddreg [dreg:$0xd];
	[sflag:s15] =	ssyncadd.s32 $0xFFFFC000  }
0x179: {  	[spmem:s2] =	stream.indirect.scatter.add.f32 [tilespmem:s13], [sflag:$0x2], $0x80, s9, s12, $0xb8;
	[tilespmem:$0x1D000] =	vst v63  }
0x17a: {  	_ =	swait.ge [sflag:s15], $0x4000  }
0x17b: {  	[sflag:s15] =	ssyncset.done $0x0  }
0x17c: {  	s7 =	rddreg [dreg:$0xe];
	[sflag:s15] =	ssyncadd.s32 $0xFFFFC000  }
0x17d: {  	[spmem:s2] =	stream.indirect.scatter.add.f32 [tilespmem:s14], [sflag:$0x2], $0x80, s7, s12, $0xb8;
	[tilespmem:$0x1D000] =	vst v63  }
0x17e: {  	_ =	swait.ge [sflag:s16], $0x4000  }
0x17f: {  	[sflag:s16] =	ssyncset.done $0x0  }
0x180: {  	[sflag:s16] =	ssyncadd.s32 $0xFFFFC000  }
0x181: {  	_ =	swait.ge [sflag:s16], $0x4000  }
0x182: {  	[sflag:s16] =	ssyncset.done $0x0  }
0x183: {  	s8 =	rddreg [dreg:$0xf];
	[sflag:s16] =	ssyncadd.s32 $0xFFFFC000  }
0x184: {  	[tilespmem:s13], [sflag:$0x1] =	stream.indirect.gather [hbm4b:s4+s12], $0x80, s8, s12, $0xb8;
	[tilespmem:$0x1D000] =	vst v63  }
0x185: {  	s9 =	rddreg [dreg:$0x10]  }
0x186: {  	[tilespmem:s14], [sflag:$0x1] =	stream.indirect.gather [hbm4b:s4+s12], $0x80, s9, s12, $0xb8;
	[tilespmem:$0x1D000] =	vst v63  }
0x187: {  	_ =	swait.ge [sflag:s15], $0x4000  }
0x188: {  	[sflag:s15] =	ssyncset.done $0x0  }
0x189: {  	s8 =	rddreg [dreg:$0x11];
	[sflag:s15] =	ssyncadd.s32 $0xFFFFC000  }
0x18a: {  	[spmem:s2] =	stream.indirect.scatter.add.f32 [tilespmem:s13], [sflag:$0x2], $0x80, s8, s12, $0xb8;
	[tilespmem:$0x1D000] =	vst v63  }
0x18b: {  	_ =	swait.ge [sflag:s15], $0x4000  }
0x18c: {  	[sflag:s15] =	ssyncset.done $0x0  }
0x18d: {  	[sflag:s15] =	ssyncadd.s32 $0xFFFFC000  }
0x18e: {  	[spmem:s2] =	stream.indirect.scatter.add.f32 [tilespmem:s14], [sflag:$0x2], $0x80, s17, s12, $0xb8;
	[tilespmem:$0x1D000] =	vst v63  }
0x18f: {  	_ =	swait.ge [sflag:s16], $0x4000  }
0x190: {  	[sflag:s16] =	ssyncset.done $0x0  }
0x191: {  	[sflag:s16] =	ssyncadd.s32 $0xFFFFC000  }
0x192: {  	_ =	swait.ge [sflag:s16], $0x4000  }
0x193: {  	[sflag:s16] =	ssyncset.done $0x0  }
0x194: {  	[sflag:s16] =	ssyncadd.s32 $0xFFFFC000  }
0x195: {  	[tilespmem:s13], [sflag:$0x1] =	stream.indirect.gather [hbm4b:s4+s12], $0x80, s18, s12, $0xb8;
	[tilespmem:$0x1D000] =	vst v63  }
0x196: {  	_ = 	snop  }
0x197: {  	[tilespmem:s14], [sflag:$0x1] =	stream.indirect.gather [hbm4b:s4+s12], $0x80, s19, s12, $0xb8;
	[tilespmem:$0x1D000] =	vst v63  }
0x198: {  	_ =	swait.ge [sflag:s15], $0x4000  }
0x199: {  	[sflag:s15] =	ssyncset.done $0x0  }
0x19a: {  	[sflag:s15] =	ssyncadd.s32 $0xFFFFC000  }
0x19b: {  	[spmem:s2] =	stream.indirect.scatter.add.f32 [tilespmem:s13], [sflag:$0x2], $0x80, s20, s12, $0xb8;
	[tilespmem:$0x1D000] =	vst v63  }
0x19c: {  	_ =	swait.ge [sflag:s15], $0x4000  }
0x19d: {  	[sflag:s15] =	ssyncset.done $0x0  }
0x19e: {  	[sflag:s15] =	ssyncadd.s32 $0xFFFFC000  }
0x19f: {  	[spmem:s2] =	stream.indirect.scatter.add.f32 [tilespmem:s14], [sflag:$0x2], $0x80, s21, s12, $0xb8;
	[tilespmem:$0x1D000] =	vst v63  }
0x1a0: {  	_ =	swait.ge [sflag:s16], $0x4000  }
0x1a1: {  	[sflag:s16] =	ssyncset.done $0x0  }
0x1a2: {  	[sflag:s16] =	ssyncadd.s32 $0xFFFFC000  }
0x1a3: {  	_ =	swait.ge [sflag:s16], $0x4000  }
0x1a4: {  	[sflag:s16] =	ssyncset.done $0x0  }
0x1a5: {  	[sflag:s16] =	ssyncadd.s32 $0xFFFFC000  }
0x1a6: {  	[tilespmem:s13], [sflag:$0x1] =	stream.indirect.gather [hbm4b:s4+s12], $0x80, s22, s12, $0xb8;
	[tilespmem:$0x1D000] =	vst v63  }
0x1a7: {  	_ = 	snop  }
0x1a8: {  	[tilespmem:s14], [sflag:$0x1] =	stream.indirect.gather [hbm4b:s4+s12], $0x80, s23, s12, $0xb8;
	[tilespmem:$0x1D000] =	vst v63  }
0x1a9: {  	_ =	swait.ge [sflag:s15], $0x4000  }
0x1aa: {  	[sflag:s15] =	ssyncset.done $0x0  }
0x1ab: {  	[sflag:s15] =	ssyncadd.s32 $0xFFFFC000  }
0x1ac: {  	[spmem:s2] =	stream.indirect.scatter.add.f32 [tilespmem:s13], [sflag:$0x2], $0x80, s24, s12, $0xb8;
	[tilespmem:$0x1D000] =	vst v63  }
0x1ad: {  	_ =	swait.ge [sflag:s15], $0x4000  }
0x1ae: {  	[sflag:s15] =	ssyncset.done $0x0  }
0x1af: {  	[sflag:s15] =	ssyncadd.s32 $0xFFFFC000  }
0x1b0: {  	[spmem:s2] =	stream.indirect.scatter.add.f32 [tilespmem:s14], [sflag:$0x2], $0x80, s25, s12, $0xb8;
	[tilespmem:$0x1D000] =	vst v63  }
0x1b1: {  	_ =	swait.ge [sflag:s16], $0x4000  }
0x1b2: {  	[sflag:s16] =	ssyncset.done $0x0  }
0x1b3: {  	[sflag:s16] =	ssyncadd.s32 $0xFFFFC000  }
0x1b4: {  	_ =	swait.ge [sflag:s16], $0x4000  }
0x1b5: {  	[sflag:s16] =	ssyncset.done $0x0  }
0x1b6: {  	[sflag:s16] =	ssyncadd.s32 $0xFFFFC000  }
0x1b7: {  	[tilespmem:s13], [sflag:$0x1] =	stream.indirect.gather [hbm4b:s4+s12], $0x80, s26, s12, $0xb8;
	[tilespmem:$0x1D000] =	vst v63  }
0x1b8: {  	_ = 	snop  }
0x1b9: {  	[tilespmem:s14], [sflag:$0x1] =	stream.indirect.gather [hbm4b:s4+s12], $0x80, s28, s12, $0xb8;
	[tilespmem:$0x1D000] =	vst v63  }
0x1ba: {  	_ =	swait.ge [sflag:s15], $0x4000  }
0x1bb: {  	[sflag:s15] =	ssyncset.done $0x0  }
0x1bc: {  	[sflag:s15] =	ssyncadd.s32 $0xFFFFC000  }
0x1bd: {  	[spmem:s2] =	stream.indirect.scatter.add.f32 [tilespmem:s13], [sflag:$0x2], $0x80, s29, s12, $0xb8;
	[tilespmem:$0x1D000] =	vst v63  }
0x1be: {  	_ =	swait.ge [sflag:s15], $0x4000  }
0x1bf: {  	[sflag:s15] =	ssyncset.done $0x0  }
0x1c0: {  	[sflag:s15] =	ssyncadd.s32 $0xFFFFC000  }
0x1c1: {  	[spmem:s2] =	stream.indirect.scatter.add.f32 [tilespmem:s14], [sflag:$0x2], $0x80, s30, s12, $0xb8;
	[tilespmem:$0x1D000] =	vst v63  }
0x1c2: {  	_ =	swait.ge [sflag:s16], $0x4000  }
0x1c3: {  	[sflag:s16] =	ssyncset.done $0x0  }
0x1c4: {  	[sflag:s16] =	ssyncadd.s32 $0xFFFFC000  }
0x1c5: {  	_ =	swait.ge [sflag:s16], $0x4000  }
0x1c6: {  	[sflag:s16] =	ssyncset.done $0x0  }
0x1c7: {  	[sflag:s16] =	ssyncadd.s32 $0xFFFFC000  }
0x1c8: {  	[tilespmem:s13], [sflag:$0x1] =	stream.indirect.gather [hbm4b:s4+s12], $0x80, s31, s12, $0xb8;
	[tilespmem:$0x1D000] =	vst v63  }
0x1c9: {  	_ = 	snop  }
0x1ca: {  	[tilespmem:s14], [sflag:$0x1] =	stream.indirect.gather [hbm4b:s4+s12], $0x80, s1, s12, $0xb8;
	[tilespmem:$0x1D000] =	vst v63  }
0x1cb: {  	_ =	swait.ge [sflag:s15], $0x4000  }
0x1cc: {  	[sflag:s15] =	ssyncset.done $0x0  }
0x1cd: {  	[sflag:s15] =	ssyncadd.s32 $0xFFFFC000  }
0x1ce: {  	[spmem:s2] =	stream.indirect.scatter.add.f32 [tilespmem:s13], [sflag:$0x2], $0x80, s0, s12, $0xb8;
	[tilespmem:$0x1D000] =	vst v63  }
0x1cf: {  	_ =	swait.ge [sflag:s15], $0x4000  }
0x1d0: {  	[sflag:s15] =	ssyncset.done $0x0  }
0x1d1: {  	[sflag:s15] =	ssyncadd.s32 $0xFFFFC000  }
0x1d2: {  	[spmem:s2] =	stream.indirect.scatter.add.f32 [tilespmem:s14], [sflag:$0x2], $0x80, s5, s12, $0xb8;
	[tilespmem:$0x1D000] =	vst v63  }
0x1d3: {  	_ =	swait.ge [sflag:s16], $0x4000  }
0x1d4: {  	[sflag:s16] =	ssyncset.done $0x0  }
0x1d5: {  	[sflag:s16] =	ssyncadd.s32 $0xFFFFC000  }
0x1d6: {  	_ =	swait.ge [sflag:s16], $0x4000  }
0x1d7: {  	[sflag:s16] =	ssyncset.done $0x0  }
0x1d8: {  	[sflag:s16] =	ssyncadd.s32 $0xFFFFC000  }
0x1d9: {  	[bflag:$0x0] =	sbarrier.arrive $0xFFFF  }
0x1da: {  	s7 =	rddreg [dreg:$0x13]  }
0x1db: {  	s9 =	rddreg [dreg:$0x14]  }
0x1dc: {  	s8 =	rddreg [dreg:$0x16]  }
0x1dd: {  	[hbm:s9], [sflag:s7] =	dma.local [spmem:s8], $0x2800  }
0x1de: {  	_ =	swait.ge [sflag:s10], $0x2800  }
0x1df: {  	s6 =	rddreg [dreg:$0x17]  }
0x1e0: {  	s9 =	sadd.s32 $0x1, s6;
	s6 =	rddreg [dreg:$0x15]  }
0x1e1: {  	p0 =	sne.s32 s9, s6  }
.Ltmp1:
0x1e2: {  	_ = 	snop;
	(pc) =	sbr.rel @p0 .LBB2_1-.Ltmp1, $3  }
0x1e3: {  	_ =	sdelay $0x1  }
0x1e4: {  	[sflag:s10] =	ssyncset.done $0x0  }
0x1e5: {  	[sflag:s10] =	ssyncadd.s32 $0xFFFFD800  }
0x1e6: {  	_ =	sfence.sel $0x180000  }
0x1e7: {  	[bflag:$0x0] =	sbarrier.arrive $0xFFFF  }
0x1e8: {  	_ =	strace $0x90000047  }
0x1e9: {  	s0 =	stileid.u32;
	[bflag:$0x2] =	sbarrier.arrive $0xFFFF  }
0x1ea: {  	p0 =	sne.s32 s0, $0x0;
	s0 =	rddreg [dreg:$0x3]  }
0x1eb: {  	s0 =	sadd.s32 @!p0 $0x100000, s0  }
0x1ec: {  	[sflag:s0] =	ssyncadd.tile.s32 @!p0 $0x1;
	_ =	shalt  }
.Lfunc_end2:
_tile_overlayer_lowered:
.L_overlay_start_2:
0x1ed: {  	(tag) =	ssettag $0x2  }
0x1ee: {  	s0 =	rddreg [dreg:$0x0];
	s2 =	stileid.u32  }
0x1ef: {  	s1 =	rddreg [dreg:$0x1];
	p0 =	sne.s32 s2, $0x0  }
0x1f0: {  	s3 =	rddreg [dreg:$0x2];
	[bflag:$0x3] =	sbarrier.arrive $0xFFFF;
	s2 =	simm.s32 @!p0 $0x1C03  }
0x1f1: {  	[timem:s3], [sflag:s2] =	dma.local @!p0 [hbm:s0], s1  }
0x1f2: {  	s0 =	simm.s32 @!p0 $0x3  }
0x1f3: {  	_ =	swait.ge @!p0 [sflag:s0], s1  }
0x1f4: {  	s1 =	ssub.s32 @!p0 $0x0, s1;
	[sflag:s0] =	ssyncset.done @!p0 $0x0  }
0x1f5: {  	[sflag:s0] =	ssyncadd.s32 @!p0 s1  }
0x1f6: {  	[bflag:$0x3] =	sbarrier.arrive $0xFFFF  }
0x1f7: {  	_ =	shalt  }

</sc_bundles>
